<compile_context>
chip_gen: v7x
topology: tpu7x:2x2x1
jax: 0.10.2.dev20260603
libtpu: 0.0.44.dev20260713+nightly
codegen_flags: <defaults>
</compile_context>

<pallas_src>
import functools

import jax
import jax.numpy as jnp
from jax import lax
from jax.experimental import pallas as pl
from jax.experimental.pallas import tpu as pltpu
from jax.experimental.pallas import tpu_sc as plsc

N_MATCH = 16384
N_HERO = 20
PAD = 448
NUM_WORKERS = 32
M_PER_W = N_MATCH // NUM_WORKERS
IDX_PER_W = M_PER_W * N_HERO
LANES = 16
N_CHUNKS = M_PER_W // LANES

_mesh = plsc.VectorSubcoreMesh(core_axis_name="c", subcore_axis_name="s")


@functools.partial(
    pl.kernel,
    out_type=jax.ShapeDtypeStruct((N_MATCH,), jnp.float32),
    mesh=_mesh,
    scratch_types=[
        pltpu.VMEM((IDX_PER_W,), jnp.int32),
        pltpu.VMEM((IDX_PER_W,), jnp.float32),
        pltpu.VMEM((M_PER_W,), jnp.float32),
        pltpu.SemaphoreType.DMA,
    ],
    compiler_params=pltpu.CompilerParams(needs_layout_passes=False),
)
def _team_sum(team_hbm, skill_hbm, out_hbm, idx_v, vals_v, acc_v, sem):
    wid = lax.axis_index("s") * 2 + lax.axis_index("c")
    mbase = wid * M_PER_W

    stages = [
        pltpu.async_copy(
            team_hbm.at[j, pl.ds(mbase, M_PER_W)],
            idx_v.at[pl.ds(j * M_PER_W, M_PER_W)],
            sem,
        )
        for j in range(N_HERO)
    ]
    for d in stages:
        d.wait()
    pltpu.async_copy(skill_hbm.at[idx_v], vals_v, sem).wait()

    def chunk_body(c, _):
        m16 = c * LANES
        vs = [vals_v[pl.ds(j * M_PER_W + m16, LANES)] for j in range(N_HERO)]
        while len(vs) > 1:
            vs = [a + b for a, b in zip(vs[::2], vs[1::2])] + vs[2 * (len(vs) // 2):]
        acc_v[pl.ds(m16, LANES)] = vs[0]
        return _

    lax.fori_loop(0, N_CHUNKS, chunk_body, None)
    pltpu.sync_copy(acc_v, out_hbm.at[pl.ds(mbase, M_PER_W)])


def kernel(team, skill):
    team_t = team.T.astype(jnp.int32)
    skill_flat = jnp.concatenate(
        [skill, jnp.zeros((PAD, 1), jnp.float32)]
    ).reshape(-1)
    out = _team_sum(team_t, skill_flat)
    return out.reshape(N_MATCH, 1)

# --- scband reference (transcript-rebuilt; emitter-appended) ---
"""Pipeline reference for scband-bt-3564822855888 (READ-ONLY COPY).

The authoritative reference and input builder live on the scoring server;
editing this copy changes nothing except your own understanding.
"""

import jax, jax.numpy as jnp
import numpy as np

N_PLAYER = 1000000

def setup_inputs(seed: int = 0) -> dict:
    key = jax.random.key(seed)
    k1, k2 = jax.random.split(key)
    team = jax.random.randint(k1, (16384, 20), 0, N_PLAYER)
    skill = jax.random.normal(k2, (N_PLAYER, 1), dtype=jnp.float32)
    return {"team": team, "skill": skill}

def reference(team, skill):
    n_match = team.shape[0]
    hero_skill = jnp.take(skill, team, axis=0).reshape(n_match, -1)
    team_skill = hero_skill.sum(axis=1, keepdims=True)
    return team_skill

if __name__ == "__main__":
    import jax
    _d = setup_inputs()
    print(jax.jit(kernel)(*tuple(_d.values())))

</pallas_src>

<mosaic_0001>
#map = affine_map<(d0, d1) -> (0, 0)>
#map1 = affine_map<(d0, d1) -> (0)>
module attributes {stable_mosaic.version = 14 : i64} {
  func.func @_team_sum(%arg0: i32, %arg1: i32, %arg2: memref<20x16384xi32, #tpu.memory_space<hbm>>, %arg3: memref<1000448xf32, #tpu.memory_space<hbm>>, %arg4: memref<16384xf32, #tpu.memory_space<hbm>>, %arg5: memref<10240xi32, #tpu.memory_space<vmem>>, %arg6: memref<10240xf32, #tpu.memory_space<vmem>>, %arg7: memref<512xf32, #tpu.memory_space<vmem>>, %arg8: memref<!tpu.dma_semaphore, #tpu.memory_space<semaphore_mem>>) attributes {dimension_semantics = [#tpu.dimension_semantics<core_parallel>, #tpu.dimension_semantics<subcore_parallel>], iteration_bounds = array<i64: 2, 16>, scalar_prefetch = 0 : i64, scratch_operands = 4 : i64, tpu.core_type = #tpu.core_type<sc_vector_subcore>, window_params = [{transform_indices = #map}, {transform_indices = #map1}, {transform_indices = #map1}]} {
    %mul3A = arith.constant 2 : i32
    %mul3A_0 = arith.muli %arg1, %mul3A : i32
    %add3A = arith.addi %mul3A_0, %arg0 : i32
    %mul3A_1 = arith.constant 512 : i32
    %mul3A_2 = arith.muli %add3A, %mul3A_1 : i32
    %dma_start3A = arith.constant 0 : i32
    %dma_start3A_3 = arith.constant 0 : i32
    %dma_start3A_4 = tpu.memref_slice %arg5[%dma_start3A_3] : memref<10240xi32, #tpu.memory_space<vmem>> -> memref<512xi32, #tpu.memory_space<vmem>>
    %dma_start3A_5 = tpu.memref_slice %arg2[%dma_start3A, %mul3A_2] : memref<20x16384xi32, #tpu.memory_space<hbm>> -> memref<1x512xi32, #tpu.memory_space<hbm>>
    %dma_start3A_6 = tpu.memref_squeeze %dma_start3A_5 : memref<1x512xi32, #tpu.memory_space<hbm>> -> memref<512xi32, #tpu.memory_space<hbm>>
    %dma_start3A_7 = arith.constant 0 : i32
    %dma_start3A_8 = tpu.memref_slice %arg5[%dma_start3A_7] : memref<10240xi32, #tpu.memory_space<vmem>> -> memref<512xi32, #tpu.memory_space<vmem>>
    %dma_start3A_9 = tpu.memref_slice %arg2[%dma_start3A, %mul3A_2] : memref<20x16384xi32, #tpu.memory_space<hbm>> -> memref<1x512xi32, #tpu.memory_space<hbm>>
    %dma_start3A_10 = tpu.memref_squeeze %dma_start3A_9 : memref<1x512xi32, #tpu.memory_space<hbm>> -> memref<512xi32, #tpu.memory_space<hbm>>
    tpu.enqueue_dma source(%dma_start3A_10 : memref<512xi32, #tpu.memory_space<hbm>>) target(%dma_start3A_8 : memref<512xi32, #tpu.memory_space<vmem>>) target_semaphore(%arg8 : memref<!tpu.dma_semaphore, #tpu.memory_space<semaphore_mem>>)
    %dma_start3A_11 = arith.constant 1 : i32
    %dma_start3A_12 = arith.constant 512 : i32
    %dma_start3A_13 = tpu.memref_slice %arg5[%dma_start3A_12] : memref<10240xi32, #tpu.memory_space<vmem>> -> memref<512xi32, #tpu.memory_space<vmem>>
    %dma_start3A_14 = tpu.memref_slice %arg2[%dma_start3A_11, %mul3A_2] : memref<20x16384xi32, #tpu.memory_space<hbm>> -> memref<1x512xi32, #tpu.memory_space<hbm>>
    %dma_start3A_15 = tpu.memref_squeeze %dma_start3A_14 : memref<1x512xi32, #tpu.memory_space<hbm>> -> memref<512xi32, #tpu.memory_space<hbm>>
    %dma_start3A_16 = arith.constant 512 : i32
    %dma_start3A_17 = tpu.memref_slice %arg5[%dma_start3A_16] : memref<10240xi32, #tpu.memory_space<vmem>> -> memref<512xi32, #tpu.memory_space<vmem>>
    %dma_start3A_18 = tpu.memref_slice %arg2[%dma_start3A_11, %mul3A_2] : memref<20x16384xi32, #tpu.memory_space<hbm>> -> memref<1x512xi32, #tpu.memory_space<hbm>>
    %dma_start3A_19 = tpu.memref_squeeze %dma_start3A_18 : memref<1x512xi32, #tpu.memory_space<hbm>> -> memref<512xi32, #tpu.memory_space<hbm>>
    tpu.enqueue_dma source(%dma_start3A_19 : memref<512xi32, #tpu.memory_space<hbm>>) target(%dma_start3A_17 : memref<512xi32, #tpu.memory_space<vmem>>) target_semaphore(%arg8 : memref<!tpu.dma_semaphore, #tpu.memory_space<semaphore_mem>>)
    %dma_start3A_20 = arith.constant 2 : i32
    %dma_start3A_21 = arith.constant 1024 : i32
    %dma_start3A_22 = tpu.memref_slice %arg5[%dma_start3A_21] : memref<10240xi32, #tpu.memory_space<vmem>> -> memref<512xi32, #tpu.memory_space<vmem>>
    %dma_start3A_23 = tpu.memref_slice %arg2[%dma_start3A_20, %mul3A_2] : memref<20x16384xi32, #tpu.memory_space<hbm>> -> memref<1x512xi32, #tpu.memory_space<hbm>>
    %dma_start3A_24 = tpu.memref_squeeze %dma_start3A_23 : memref<1x512xi32, #tpu.memory_space<hbm>> -> memref<512xi32, #tpu.memory_space<hbm>>
    %dma_start3A_25 = arith.constant 1024 : i32
    %dma_start3A_26 = tpu.memref_slice %arg5[%dma_start3A_25] : memref<10240xi32, #tpu.memory_space<vmem>> -> memref<512xi32, #tpu.memory_space<vmem>>
    %dma_start3A_27 = tpu.memref_slice %arg2[%dma_start3A_20, %mul3A_2] : memref<20x16384xi32, #tpu.memory_space<hbm>> -> memref<1x512xi32, #tpu.memory_space<hbm>>
    %dma_start3A_28 = tpu.memref_squeeze %dma_start3A_27 : memref<1x512xi32, #tpu.memory_space<hbm>> -> memref<512xi32, #tpu.memory_space<hbm>>
    tpu.enqueue_dma source(%dma_start3A_28 : memref<512xi32, #tpu.memory_space<hbm>>) target(%dma_start3A_26 : memref<512xi32, #tpu.memory_space<vmem>>) target_semaphore(%arg8 : memref<!tpu.dma_semaphore, #tpu.memory_space<semaphore_mem>>)
    %dma_start3A_29 = arith.constant 3 : i32
    %dma_start3A_30 = arith.constant 1536 : i32
    %dma_start3A_31 = tpu.memref_slice %arg5[%dma_start3A_30] : memref<10240xi32, #tpu.memory_space<vmem>> -> memref<512xi32, #tpu.memory_space<vmem>>
    %dma_start3A_32 = tpu.memref_slice %arg2[%dma_start3A_29, %mul3A_2] : memref<20x16384xi32, #tpu.memory_space<hbm>> -> memref<1x512xi32, #tpu.memory_space<hbm>>
    %dma_start3A_33 = tpu.memref_squeeze %dma_start3A_32 : memref<1x512xi32, #tpu.memory_space<hbm>> -> memref<512xi32, #tpu.memory_space<hbm>>
    %dma_start3A_34 = arith.constant 1536 : i32
    %dma_start3A_35 = tpu.memref_slice %arg5[%dma_start3A_34] : memref<10240xi32, #tpu.memory_space<vmem>> -> memref<512xi32, #tpu.memory_space<vmem>>
    %dma_start3A_36 = tpu.memref_slice %arg2[%dma_start3A_29, %mul3A_2] : memref<20x16384xi32, #tpu.memory_space<hbm>> -> memref<1x512xi32, #tpu.memory_space<hbm>>
    %dma_start3A_37 = tpu.memref_squeeze %dma_start3A_36 : memref<1x512xi32, #tpu.memory_space<hbm>> -> memref<512xi32, #tpu.memory_space<hbm>>
    tpu.enqueue_dma source(%dma_start3A_37 : memref<512xi32, #tpu.memory_space<hbm>>) target(%dma_start3A_35 : memref<512xi32, #tpu.memory_space<vmem>>) target_semaphore(%arg8 : memref<!tpu.dma_semaphore, #tpu.memory_space<semaphore_mem>>)
    %dma_start3A_38 = arith.constant 4 : i32
    %dma_start3A_39 = arith.constant 2048 : i32
    %dma_start3A_40 = tpu.memref_slice %arg5[%dma_start3A_39] : memref<10240xi32, #tpu.memory_space<vmem>> -> memref<512xi32, #tpu.memory_space<vmem>>
    %dma_start3A_41 = tpu.memref_slice %arg2[%dma_start3A_38, %mul3A_2] : memref<20x16384xi32, #tpu.memory_space<hbm>> -> memref<1x512xi32, #tpu.memory_space<hbm>>
    %dma_start3A_42 = tpu.memref_squeeze %dma_start3A_41 : memref<1x512xi32, #tpu.memory_space<hbm>> -> memref<512xi32, #tpu.memory_space<hbm>>
    %dma_start3A_43 = arith.constant 2048 : i32
    %dma_start3A_44 = tpu.memref_slice %arg5[%dma_start3A_43] : memref<10240xi32, #tpu.memory_space<vmem>> -> memref<512xi32, #tpu.memory_space<vmem>>
    %dma_start3A_45 = tpu.memref_slice %arg2[%dma_start3A_38, %mul3A_2] : memref<20x16384xi32, #tpu.memory_space<hbm>> -> memref<1x512xi32, #tpu.memory_space<hbm>>
    %dma_start3A_46 = tpu.memref_squeeze %dma_start3A_45 : memref<1x512xi32, #tpu.memory_space<hbm>> -> memref<512xi32, #tpu.memory_space<hbm>>
    tpu.enqueue_dma source(%dma_start3A_46 : memref<512xi32, #tpu.memory_space<hbm>>) target(%dma_start3A_44 : memref<512xi32, #tpu.memory_space<vmem>>) target_semaphore(%arg8 : memref<!tpu.dma_semaphore, #tpu.memory_space<semaphore_mem>>)
    %dma_start3A_47 = arith.constant 5 : i32
    %dma_start3A_48 = arith.constant 2560 : i32
    %dma_start3A_49 = tpu.memref_slice %arg5[%dma_start3A_48] : memref<10240xi32, #tpu.memory_space<vmem>> -> memref<512xi32, #tpu.memory_space<vmem>>
    %dma_start3A_50 = tpu.memref_slice %arg2[%dma_start3A_47, %mul3A_2] : memref<20x16384xi32, #tpu.memory_space<hbm>> -> memref<1x512xi32, #tpu.memory_space<hbm>>
    %dma_start3A_51 = tpu.memref_squeeze %dma_start3A_50 : memref<1x512xi32, #tpu.memory_space<hbm>> -> memref<512xi32, #tpu.memory_space<hbm>>
    %dma_start3A_52 = arith.constant 2560 : i32
    %dma_start3A_53 = tpu.memref_slice %arg5[%dma_start3A_52] : memref<10240xi32, #tpu.memory_space<vmem>> -> memref<512xi32, #tpu.memory_space<vmem>>
    %dma_start3A_54 = tpu.memref_slice %arg2[%dma_start3A_47, %mul3A_2] : memref<20x16384xi32, #tpu.memory_space<hbm>> -> memref<1x512xi32, #tpu.memory_space<hbm>>
    %dma_start3A_55 = tpu.memref_squeeze %dma_start3A_54 : memref<1x512xi32, #tpu.memory_space<hbm>> -> memref<512xi32, #tpu.memory_space<hbm>>
    tpu.enqueue_dma source(%dma_start3A_55 : memref<512xi32, #tpu.memory_space<hbm>>) target(%dma_start3A_53 : memref<512xi32, #tpu.memory_space<vmem>>) target_semaphore(%arg8 : memref<!tpu.dma_semaphore, #tpu.memory_space<semaphore_mem>>)
    %dma_start3A_56 = arith.constant 6 : i32
    %dma_start3A_57 = arith.constant 3072 : i32
    %dma_start3A_58 = tpu.memref_slice %arg5[%dma_start3A_57] : memref<10240xi32, #tpu.memory_space<vmem>> -> memref<512xi32, #tpu.memory_space<vmem>>
    %dma_start3A_59 = tpu.memref_slice %arg2[%dma_start3A_56, %mul3A_2] : memref<20x16384xi32, #tpu.memory_space<hbm>> -> memref<1x512xi32, #tpu.memory_space<hbm>>
    %dma_start3A_60 = tpu.memref_squeeze %dma_start3A_59 : memref<1x512xi32, #tpu.memory_space<hbm>> -> memref<512xi32, #tpu.memory_space<hbm>>
    %dma_start3A_61 = arith.constant 3072 : i32
    %dma_start3A_62 = tpu.memref_slice %arg5[%dma_start3A_61] : memref<10240xi32, #tpu.memory_space<vmem>> -> memref<512xi32, #tpu.memory_space<vmem>>
    %dma_start3A_63 = tpu.memref_slice %arg2[%dma_start3A_56, %mul3A_2] : memref<20x16384xi32, #tpu.memory_space<hbm>> -> memref<1x512xi32, #tpu.memory_space<hbm>>
    %dma_start3A_64 = tpu.memref_squeeze %dma_start3A_63 : memref<1x512xi32, #tpu.memory_space<hbm>> -> memref<512xi32, #tpu.memory_space<hbm>>
    tpu.enqueue_dma source(%dma_start3A_64 : memref<512xi32, #tpu.memory_space<hbm>>) target(%dma_start3A_62 : memref<512xi32, #tpu.memory_space<vmem>>) target_semaphore(%arg8 : memref<!tpu.dma_semaphore, #tpu.memory_space<semaphore_mem>>)
    %dma_start3A_65 = arith.constant 7 : i32
    %dma_start3A_66 = arith.constant 3584 : i32
    %dma_start3A_67 = tpu.memref_slice %arg5[%dma_start3A_66] : memref<10240xi32, #tpu.memory_space<vmem>> -> memref<512xi32, #tpu.memory_space<vmem>>
    %dma_start3A_68 = tpu.memref_slice %arg2[%dma_start3A_65, %mul3A_2] : memref<20x16384xi32, #tpu.memory_space<hbm>> -> memref<1x512xi32, #tpu.memory_space<hbm>>
    %dma_start3A_69 = tpu.memref_squeeze %dma_start3A_68 : memref<1x512xi32, #tpu.memory_space<hbm>> -> memref<512xi32, #tpu.memory_space<hbm>>
    %dma_start3A_70 = arith.constant 3584 : i32
    %dma_start3A_71 = tpu.memref_slice %arg5[%dma_start3A_70] : memref<10240xi32, #tpu.memory_space<vmem>> -> memref<512xi32, #tpu.memory_space<vmem>>
    %dma_start3A_72 = tpu.memref_slice %arg2[%dma_start3A_65, %mul3A_2] : memref<20x16384xi32, #tpu.memory_space<hbm>> -> memref<1x512xi32, #tpu.memory_space<hbm>>
    %dma_start3A_73 = tpu.memref_squeeze %dma_start3A_72 : memref<1x512xi32, #tpu.memory_space<hbm>> -> memref<512xi32, #tpu.memory_space<hbm>>
    tpu.enqueue_dma source(%dma_start3A_73 : memref<512xi32, #tpu.memory_space<hbm>>) target(%dma_start3A_71 : memref<512xi32, #tpu.memory_space<vmem>>) target_semaphore(%arg8 : memref<!tpu.dma_semaphore, #tpu.memory_space<semaphore_mem>>)
    %dma_start3A_74 = arith.constant 8 : i32
    %dma_start3A_75 = arith.constant 4096 : i32
    %dma_start3A_76 = tpu.memref_slice %arg5[%dma_start3A_75] : memref<10240xi32, #tpu.memory_space<vmem>> -> memref<512xi32, #tpu.memory_space<vmem>>
    %dma_start3A_77 = tpu.memref_slice %arg2[%dma_start3A_74, %mul3A_2] : memref<20x16384xi32, #tpu.memory_space<hbm>> -> memref<1x512xi32, #tpu.memory_space<hbm>>
    %dma_start3A_78 = tpu.memref_squeeze %dma_start3A_77 : memref<1x512xi32, #tpu.memory_space<hbm>> -> memref<512xi32, #tpu.memory_space<hbm>>
    %dma_start3A_79 = arith.constant 4096 : i32
    %dma_start3A_80 = tpu.memref_slice %arg5[%dma_start3A_79] : memref<10240xi32, #tpu.memory_space<vmem>> -> memref<512xi32, #tpu.memory_space<vmem>>
    %dma_start3A_81 = tpu.memref_slice %arg2[%dma_start3A_74, %mul3A_2] : memref<20x16384xi32, #tpu.memory_space<hbm>> -> memref<1x512xi32, #tpu.memory_space<hbm>>
    %dma_start3A_82 = tpu.memref_squeeze %dma_start3A_81 : memref<1x512xi32, #tpu.memory_space<hbm>> -> memref<512xi32, #tpu.memory_space<hbm>>
    tpu.enqueue_dma source(%dma_start3A_82 : memref<512xi32, #tpu.memory_space<hbm>>) target(%dma_start3A_80 : memref<512xi32, #tpu.memory_space<vmem>>) target_semaphore(%arg8 : memref<!tpu.dma_semaphore, #tpu.memory_space<semaphore_mem>>)
    %dma_start3A_83 = arith.constant 9 : i32
    %dma_start3A_84 = arith.constant 4608 : i32
    %dma_start3A_85 = tpu.memref_slice %arg5[%dma_start3A_84] : memref<10240xi32, #tpu.memory_space<vmem>> -> memref<512xi32, #tpu.memory_space<vmem>>
    %dma_start3A_86 = tpu.memref_slice %arg2[%dma_start3A_83, %mul3A_2] : memref<20x16384xi32, #tpu.memory_space<hbm>> -> memref<1x512xi32, #tpu.memory_space<hbm>>
    %dma_start3A_87 = tpu.memref_squeeze %dma_start3A_86 : memref<1x512xi32, #tpu.memory_space<hbm>> -> memref<512xi32, #tpu.memory_space<hbm>>
    %dma_start3A_88 = arith.constant 4608 : i32
    %dma_start3A_89 = tpu.memref_slice %arg5[%dma_start3A_88] : memref<10240xi32, #tpu.memory_space<vmem>> -> memref<512xi32, #tpu.memory_space<vmem>>
    %dma_start3A_90 = tpu.memref_slice %arg2[%dma_start3A_83, %mul3A_2] : memref<20x16384xi32, #tpu.memory_space<hbm>> -> memref<1x512xi32, #tpu.memory_space<hbm>>
    %dma_start3A_91 = tpu.memref_squeeze %dma_start3A_90 : memref<1x512xi32, #tpu.memory_space<hbm>> -> memref<512xi32, #tpu.memory_space<hbm>>
    tpu.enqueue_dma source(%dma_start3A_91 : memref<512xi32, #tpu.memory_space<hbm>>) target(%dma_start3A_89 : memref<512xi32, #tpu.memory_space<vmem>>) target_semaphore(%arg8 : memref<!tpu.dma_semaphore, #tpu.memory_space<semaphore_mem>>)
    %dma_start3A_92 = arith.constant 10 : i32
    %dma_start3A_93 = arith.constant 5120 : i32
    %dma_start3A_94 = tpu.memref_slice %arg5[%dma_start3A_93] : memref<10240xi32, #tpu.memory_space<vmem>> -> memref<512xi32, #tpu.memory_space<vmem>>
    %dma_start3A_95 = tpu.memref_slice %arg2[%dma_start3A_92, %mul3A_2] : memref<20x16384xi32, #tpu.memory_space<hbm>> -> memref<1x512xi32, #tpu.memory_space<hbm>>
    %dma_start3A_96 = tpu.memref_squeeze %dma_start3A_95 : memref<1x512xi32, #tpu.memory_space<hbm>> -> memref<512xi32, #tpu.memory_space<hbm>>
    %dma_start3A_97 = arith.constant 5120 : i32
    %dma_start3A_98 = tpu.memref_slice %arg5[%dma_start3A_97] : memref<10240xi32, #tpu.memory_space<vmem>> -> memref<512xi32, #tpu.memory_space<vmem>>
    %dma_start3A_99 = tpu.memref_slice %arg2[%dma_start3A_92, %mul3A_2] : memref<20x16384xi32, #tpu.memory_space<hbm>> -> memref<1x512xi32, #tpu.memory_space<hbm>>
    %dma_start3A_100 = tpu.memref_squeeze %dma_start3A_99 : memref<1x512xi32, #tpu.memory_space<hbm>> -> memref<512xi32, #tpu.memory_space<hbm>>
    tpu.enqueue_dma source(%dma_start3A_100 : memref<512xi32, #tpu.memory_space<hbm>>) target(%dma_start3A_98 : memref<512xi32, #tpu.memory_space<vmem>>) target_semaphore(%arg8 : memref<!tpu.dma_semaphore, #tpu.memory_space<semaphore_mem>>)
    %dma_start3A_101 = arith.constant 11 : i32
    %dma_start3A_102 = arith.constant 5632 : i32
    %dma_start3A_103 = tpu.memref_slice %arg5[%dma_start3A_102] : memref<10240xi32, #tpu.memory_space<vmem>> -> memref<512xi32, #tpu.memory_space<vmem>>
    %dma_start3A_104 = tpu.memref_slice %arg2[%dma_start3A_101, %mul3A_2] : memref<20x16384xi32, #tpu.memory_space<hbm>> -> memref<1x512xi32, #tpu.memory_space<hbm>>
    %dma_start3A_105 = tpu.memref_squeeze %dma_start3A_104 : memref<1x512xi32, #tpu.memory_space<hbm>> -> memref<512xi32, #tpu.memory_space<hbm>>
    %dma_start3A_106 = arith.constant 5632 : i32
    %dma_start3A_107 = tpu.memref_slice %arg5[%dma_start3A_106] : memref<10240xi32, #tpu.memory_space<vmem>> -> memref<512xi32, #tpu.memory_space<vmem>>
    %dma_start3A_108 = tpu.memref_slice %arg2[%dma_start3A_101, %mul3A_2] : memref<20x16384xi32, #tpu.memory_space<hbm>> -> memref<1x512xi32, #tpu.memory_space<hbm>>
    %dma_start3A_109 = tpu.memref_squeeze %dma_start3A_108 : memref<1x512xi32, #tpu.memory_space<hbm>> -> memref<512xi32, #tpu.memory_space<hbm>>
    tpu.enqueue_dma source(%dma_start3A_109 : memref<512xi32, #tpu.memory_space<hbm>>) target(%dma_start3A_107 : memref<512xi32, #tpu.memory_space<vmem>>) target_semaphore(%arg8 : memref<!tpu.dma_semaphore, #tpu.memory_space<semaphore_mem>>)
    %dma_start3A_110 = arith.constant 12 : i32
    %dma_start3A_111 = arith.constant 6144 : i32
    %dma_start3A_112 = tpu.memref_slice %arg5[%dma_start3A_111] : memref<10240xi32, #tpu.memory_space<vmem>> -> memref<512xi32, #tpu.memory_space<vmem>>
    %dma_start3A_113 = tpu.memref_slice %arg2[%dma_start3A_110, %mul3A_2] : memref<20x16384xi32, #tpu.memory_space<hbm>> -> memref<1x512xi32, #tpu.memory_space<hbm>>
    %dma_start3A_114 = tpu.memref_squeeze %dma_start3A_113 : memref<1x512xi32, #tpu.memory_space<hbm>> -> memref<512xi32, #tpu.memory_space<hbm>>
    %dma_start3A_115 = arith.constant 6144 : i32
    %dma_start3A_116 = tpu.memref_slice %arg5[%dma_start3A_115] : memref<10240xi32, #tpu.memory_space<vmem>> -> memref<512xi32, #tpu.memory_space<vmem>>
    %dma_start3A_117 = tpu.memref_slice %arg2[%dma_start3A_110, %mul3A_2] : memref<20x16384xi32, #tpu.memory_space<hbm>> -> memref<1x512xi32, #tpu.memory_space<hbm>>
    %dma_start3A_118 = tpu.memref_squeeze %dma_start3A_117 : memref<1x512xi32, #tpu.memory_space<hbm>> -> memref<512xi32, #tpu.memory_space<hbm>>
    tpu.enqueue_dma source(%dma_start3A_118 : memref<512xi32, #tpu.memory_space<hbm>>) target(%dma_start3A_116 : memref<512xi32, #tpu.memory_space<vmem>>) target_semaphore(%arg8 : memref<!tpu.dma_semaphore, #tpu.memory_space<semaphore_mem>>)
    %dma_start3A_119 = arith.constant 13 : i32
    %dma_start3A_120 = arith.constant 6656 : i32
    %dma_start3A_121 = tpu.memref_slice %arg5[%dma_start3A_120] : memref<10240xi32, #tpu.memory_space<vmem>> -> memref<512xi32, #tpu.memory_space<vmem>>
    %dma_start3A_122 = tpu.memref_slice %arg2[%dma_start3A_119, %mul3A_2] : memref<20x16384xi32, #tpu.memory_space<hbm>> -> memref<1x512xi32, #tpu.memory_space<hbm>>
    %dma_start3A_123 = tpu.memref_squeeze %dma_start3A_122 : memref<1x512xi32, #tpu.memory_space<hbm>> -> memref<512xi32, #tpu.memory_space<hbm>>
    %dma_start3A_124 = arith.constant 6656 : i32
    %dma_start3A_125 = tpu.memref_slice %arg5[%dma_start3A_124] : memref<10240xi32, #tpu.memory_space<vmem>> -> memref<512xi32, #tpu.memory_space<vmem>>
    %dma_start3A_126 = tpu.memref_slice %arg2[%dma_start3A_119, %mul3A_2] : memref<20x16384xi32, #tpu.memory_space<hbm>> -> memref<1x512xi32, #tpu.memory_space<hbm>>
    %dma_start3A_127 = tpu.memref_squeeze %dma_start3A_126 : memref<1x512xi32, #tpu.memory_space<hbm>> -> memref<512xi32, #tpu.memory_space<hbm>>
    tpu.enqueue_dma source(%dma_start3A_127 : memref<512xi32, #tpu.memory_space<hbm>>) target(%dma_start3A_125 : memref<512xi32, #tpu.memory_space<vmem>>) target_semaphore(%arg8 : memref<!tpu.dma_semaphore, #tpu.memory_space<semaphore_mem>>)
    %dma_start3A_128 = arith.constant 14 : i32
    %dma_start3A_129 = arith.constant 7168 : i32
    %dma_start3A_130 = tpu.memref_slice %arg5[%dma_start3A_129] : memref<10240xi32, #tpu.memory_space<vmem>> -> memref<512xi32, #tpu.memory_space<vmem>>
    %dma_start3A_131 = tpu.memref_slice %arg2[%dma_start3A_128, %mul3A_2] : memref<20x16384xi32, #tpu.memory_space<hbm>> -> memref<1x512xi32, #tpu.memory_space<hbm>>
    %dma_start3A_132 = tpu.memref_squeeze %dma_start3A_131 : memref<1x512xi32, #tpu.memory_space<hbm>> -> memref<512xi32, #tpu.memory_space<hbm>>
    %dma_start3A_133 = arith.constant 7168 : i32
    %dma_start3A_134 = tpu.memref_slice %arg5[%dma_start3A_133] : memref<10240xi32, #tpu.memory_space<vmem>> -> memref<512xi32, #tpu.memory_space<vmem>>
    %dma_start3A_135 = tpu.memref_slice %arg2[%dma_start3A_128, %mul3A_2] : memref<20x16384xi32, #tpu.memory_space<hbm>> -> memref<1x512xi32, #tpu.memory_space<hbm>>
    %dma_start3A_136 = tpu.memref_squeeze %dma_start3A_135 : memref<1x512xi32, #tpu.memory_space<hbm>> -> memref<512xi32, #tpu.memory_space<hbm>>
    tpu.enqueue_dma source(%dma_start3A_136 : memref<512xi32, #tpu.memory_space<hbm>>) target(%dma_start3A_134 : memref<512xi32, #tpu.memory_space<vmem>>) target_semaphore(%arg8 : memref<!tpu.dma_semaphore, #tpu.memory_space<semaphore_mem>>)
    %dma_start3A_137 = arith.constant 15 : i32
    %dma_start3A_138 = arith.constant 7680 : i32
    %dma_start3A_139 = tpu.memref_slice %arg5[%dma_start3A_138] : memref<10240xi32, #tpu.memory_space<vmem>> -> memref<512xi32, #tpu.memory_space<vmem>>
    %dma_start3A_140 = tpu.memref_slice %arg2[%dma_start3A_137, %mul3A_2] : memref<20x16384xi32, #tpu.memory_space<hbm>> -> memref<1x512xi32, #tpu.memory_space<hbm>>
    %dma_start3A_141 = tpu.memref_squeeze %dma_start3A_140 : memref<1x512xi32, #tpu.memory_space<hbm>> -> memref<512xi32, #tpu.memory_space<hbm>>
    %dma_start3A_142 = arith.constant 7680 : i32
    %dma_start3A_143 = tpu.memref_slice %arg5[%dma_start3A_142] : memref<10240xi32, #tpu.memory_space<vmem>> -> memref<512xi32, #tpu.memory_space<vmem>>
    %dma_start3A_144 = tpu.memref_slice %arg2[%dma_start3A_137, %mul3A_2] : memref<20x16384xi32, #tpu.memory_space<hbm>> -> memref<1x512xi32, #tpu.memory_space<hbm>>
    %dma_start3A_145 = tpu.memref_squeeze %dma_start3A_144 : memref<1x512xi32, #tpu.memory_space<hbm>> -> memref<512xi32, #tpu.memory_space<hbm>>
    tpu.enqueue_dma source(%dma_start3A_145 : memref<512xi32, #tpu.memory_space<hbm>>) target(%dma_start3A_143 : memref<512xi32, #tpu.memory_space<vmem>>) target_semaphore(%arg8 : memref<!tpu.dma_semaphore, #tpu.memory_space<semaphore_mem>>)
    %dma_start3A_146 = arith.constant 16 : i32
    %dma_start3A_147 = arith.constant 8192 : i32
    %dma_start3A_148 = tpu.memref_slice %arg5[%dma_start3A_147] : memref<10240xi32, #tpu.memory_space<vmem>> -> memref<512xi32, #tpu.memory_space<vmem>>
    %dma_start3A_149 = tpu.memref_slice %arg2[%dma_start3A_146, %mul3A_2] : memref<20x16384xi32, #tpu.memory_space<hbm>> -> memref<1x512xi32, #tpu.memory_space<hbm>>
    %dma_start3A_150 = tpu.memref_squeeze %dma_start3A_149 : memref<1x512xi32, #tpu.memory_space<hbm>> -> memref<512xi32, #tpu.memory_space<hbm>>
    %dma_start3A_151 = arith.constant 8192 : i32
    %dma_start3A_152 = tpu.memref_slice %arg5[%dma_start3A_151] : memref<10240xi32, #tpu.memory_space<vmem>> -> memref<512xi32, #tpu.memory_space<vmem>>
    %dma_start3A_153 = tpu.memref_slice %arg2[%dma_start3A_146, %mul3A_2] : memref<20x16384xi32, #tpu.memory_space<hbm>> -> memref<1x512xi32, #tpu.memory_space<hbm>>
    %dma_start3A_154 = tpu.memref_squeeze %dma_start3A_153 : memref<1x512xi32, #tpu.memory_space<hbm>> -> memref<512xi32, #tpu.memory_space<hbm>>
    tpu.enqueue_dma source(%dma_start3A_154 : memref<512xi32, #tpu.memory_space<hbm>>) target(%dma_start3A_152 : memref<512xi32, #tpu.memory_space<vmem>>) target_semaphore(%arg8 : memref<!tpu.dma_semaphore, #tpu.memory_space<semaphore_mem>>)
    %dma_start3A_155 = arith.constant 17 : i32
    %dma_start3A_156 = arith.constant 8704 : i32
    %dma_start3A_157 = tpu.memref_slice %arg5[%dma_start3A_156] : memref<10240xi32, #tpu.memory_space<vmem>> -> memref<512xi32, #tpu.memory_space<vmem>>
    %dma_start3A_158 = tpu.memref_slice %arg2[%dma_start3A_155, %mul3A_2] : memref<20x16384xi32, #tpu.memory_space<hbm>> -> memref<1x512xi32, #tpu.memory_space<hbm>>
    %dma_start3A_159 = tpu.memref_squeeze %dma_start3A_158 : memref<1x512xi32, #tpu.memory_space<hbm>> -> memref<512xi32, #tpu.memory_space<hbm>>
    %dma_start3A_160 = arith.constant 8704 : i32
    %dma_start3A_161 = tpu.memref_slice %arg5[%dma_start3A_160] : memref<10240xi32, #tpu.memory_space<vmem>> -> memref<512xi32, #tpu.memory_space<vmem>>
    %dma_start3A_162 = tpu.memref_slice %arg2[%dma_start3A_155, %mul3A_2] : memref<20x16384xi32, #tpu.memory_space<hbm>> -> memref<1x512xi32, #tpu.memory_space<hbm>>
    %dma_start3A_163 = tpu.memref_squeeze %dma_start3A_162 : memref<1x512xi32, #tpu.memory_space<hbm>> -> memref<512xi32, #tpu.memory_space<hbm>>
    tpu.enqueue_dma source(%dma_start3A_163 : memref<512xi32, #tpu.memory_space<hbm>>) target(%dma_start3A_161 : memref<512xi32, #tpu.memory_space<vmem>>) target_semaphore(%arg8 : memref<!tpu.dma_semaphore, #tpu.memory_space<semaphore_mem>>)
    %dma_start3A_164 = arith.constant 18 : i32
    %dma_start3A_165 = arith.constant 9216 : i32
    %dma_start3A_166 = tpu.memref_slice %arg5[%dma_start3A_165] : memref<10240xi32, #tpu.memory_space<vmem>> -> memref<512xi32, #tpu.memory_space<vmem>>
    %dma_start3A_167 = tpu.memref_slice %arg2[%dma_start3A_164, %mul3A_2] : memref<20x16384xi32, #tpu.memory_space<hbm>> -> memref<1x512xi32, #tpu.memory_space<hbm>>
    %dma_start3A_168 = tpu.memref_squeeze %dma_start3A_167 : memref<1x512xi32, #tpu.memory_space<hbm>> -> memref<512xi32, #tpu.memory_space<hbm>>
    %dma_start3A_169 = arith.constant 9216 : i32
    %dma_start3A_170 = tpu.memref_slice %arg5[%dma_start3A_169] : memref<10240xi32, #tpu.memory_space<vmem>> -> memref<512xi32, #tpu.memory_space<vmem>>
    %dma_start3A_171 = tpu.memref_slice %arg2[%dma_start3A_164, %mul3A_2] : memref<20x16384xi32, #tpu.memory_space<hbm>> -> memref<1x512xi32, #tpu.memory_space<hbm>>
    %dma_start3A_172 = tpu.memref_squeeze %dma_start3A_171 : memref<1x512xi32, #tpu.memory_space<hbm>> -> memref<512xi32, #tpu.memory_space<hbm>>
    tpu.enqueue_dma source(%dma_start3A_172 : memref<512xi32, #tpu.memory_space<hbm>>) target(%dma_start3A_170 : memref<512xi32, #tpu.memory_space<vmem>>) target_semaphore(%arg8 : memref<!tpu.dma_semaphore, #tpu.memory_space<semaphore_mem>>)
    %dma_start3A_173 = arith.constant 19 : i32
    %dma_start3A_174 = arith.constant 9728 : i32
    %dma_start3A_175 = tpu.memref_slice %arg5[%dma_start3A_174] : memref<10240xi32, #tpu.memory_space<vmem>> -> memref<512xi32, #tpu.memory_space<vmem>>
    %dma_start3A_176 = tpu.memref_slice %arg2[%dma_start3A_173, %mul3A_2] : memref<20x16384xi32, #tpu.memory_space<hbm>> -> memref<1x512xi32, #tpu.memory_space<hbm>>
    %dma_start3A_177 = tpu.memref_squeeze %dma_start3A_176 : memref<1x512xi32, #tpu.memory_space<hbm>> -> memref<512xi32, #tpu.memory_space<hbm>>
    %dma_start3A_178 = arith.constant 9728 : i32
    %dma_start3A_179 = tpu.memref_slice %arg5[%dma_start3A_178] : memref<10240xi32, #tpu.memory_space<vmem>> -> memref<512xi32, #tpu.memory_space<vmem>>
    %dma_start3A_180 = tpu.memref_slice %arg2[%dma_start3A_173, %mul3A_2] : memref<20x16384xi32, #tpu.memory_space<hbm>> -> memref<1x512xi32, #tpu.memory_space<hbm>>
    %dma_start3A_181 = tpu.memref_squeeze %dma_start3A_180 : memref<1x512xi32, #tpu.memory_space<hbm>> -> memref<512xi32, #tpu.memory_space<hbm>>
    tpu.enqueue_dma source(%dma_start3A_181 : memref<512xi32, #tpu.memory_space<hbm>>) target(%dma_start3A_179 : memref<512xi32, #tpu.memory_space<vmem>>) target_semaphore(%arg8 : memref<!tpu.dma_semaphore, #tpu.memory_space<semaphore_mem>>)
    %dma_wait3A = arith.constant 0 : i32
    %dma_wait3A_182 = arith.constant 0 : i32
    %dma_wait3A_183 = tpu.memref_slice %arg5[%dma_wait3A_182] : memref<10240xi32, #tpu.memory_space<vmem>> -> memref<512xi32, #tpu.memory_space<vmem>>
    %dma_wait3A_184 = tpu.memref_slice %arg2[%dma_wait3A, %mul3A_2] : memref<20x16384xi32, #tpu.memory_space<hbm>> -> memref<1x512xi32, #tpu.memory_space<hbm>>
    %dma_wait3A_185 = tpu.memref_squeeze %dma_wait3A_184 : memref<1x512xi32, #tpu.memory_space<hbm>> -> memref<512xi32, #tpu.memory_space<hbm>>
    %dma_wait3A_186 = arith.constant 0 : i32
    %dma_wait3A_187 = tpu.memref_slice %arg5[%dma_wait3A_186] : memref<10240xi32, #tpu.memory_space<vmem>> -> memref<512xi32, #tpu.memory_space<vmem>>
    %dma_wait3A_188 = tpu.memref_slice %arg2[%dma_wait3A, %mul3A_2] : memref<20x16384xi32, #tpu.memory_space<hbm>> -> memref<1x512xi32, #tpu.memory_space<hbm>>
    %dma_wait3A_189 = tpu.memref_squeeze %dma_wait3A_188 : memref<1x512xi32, #tpu.memory_space<hbm>> -> memref<512xi32, #tpu.memory_space<hbm>>
    tpu.wait_dma2 semaphore(%arg8 : memref<!tpu.dma_semaphore, #tpu.memory_space<semaphore_mem>>) src(%dma_wait3A_189 : memref<512xi32, #tpu.memory_space<hbm>>) dst(%dma_wait3A_187 : memref<512xi32, #tpu.memory_space<vmem>>)
    %dma_wait3A_190 = arith.constant 1 : i32
    %dma_wait3A_191 = arith.constant 512 : i32
    %dma_wait3A_192 = tpu.memref_slice %arg5[%dma_wait3A_191] : memref<10240xi32, #tpu.memory_space<vmem>> -> memref<512xi32, #tpu.memory_space<vmem>>
    %dma_wait3A_193 = tpu.memref_slice %arg2[%dma_wait3A_190, %mul3A_2] : memref<20x16384xi32, #tpu.memory_space<hbm>> -> memref<1x512xi32, #tpu.memory_space<hbm>>
    %dma_wait3A_194 = tpu.memref_squeeze %dma_wait3A_193 : memref<1x512xi32, #tpu.memory_space<hbm>> -> memref<512xi32, #tpu.memory_space<hbm>>
    %dma_wait3A_195 = arith.constant 512 : i32
    %dma_wait3A_196 = tpu.memref_slice %arg5[%dma_wait3A_195] : memref<10240xi32, #tpu.memory_space<vmem>> -> memref<512xi32, #tpu.memory_space<vmem>>
    %dma_wait3A_197 = tpu.memref_slice %arg2[%dma_wait3A_190, %mul3A_2] : memref<20x16384xi32, #tpu.memory_space<hbm>> -> memref<1x512xi32, #tpu.memory_space<hbm>>
    %dma_wait3A_198 = tpu.memref_squeeze %dma_wait3A_197 : memref<1x512xi32, #tpu.memory_space<hbm>> -> memref<512xi32, #tpu.memory_space<hbm>>
    tpu.wait_dma2 semaphore(%arg8 : memref<!tpu.dma_semaphore, #tpu.memory_space<semaphore_mem>>) src(%dma_wait3A_198 : memref<512xi32, #tpu.memory_space<hbm>>) dst(%dma_wait3A_196 : memref<512xi32, #tpu.memory_space<vmem>>)
    %dma_wait3A_199 = arith.constant 2 : i32
    %dma_wait3A_200 = arith.constant 1024 : i32
    %dma_wait3A_201 = tpu.memref_slice %arg5[%dma_wait3A_200] : memref<10240xi32, #tpu.memory_space<vmem>> -> memref<512xi32, #tpu.memory_space<vmem>>
    %dma_wait3A_202 = tpu.memref_slice %arg2[%dma_wait3A_199, %mul3A_2] : memref<20x16384xi32, #tpu.memory_space<hbm>> -> memref<1x512xi32, #tpu.memory_space<hbm>>
    %dma_wait3A_203 = tpu.memref_squeeze %dma_wait3A_202 : memref<1x512xi32, #tpu.memory_space<hbm>> -> memref<512xi32, #tpu.memory_space<hbm>>
    %dma_wait3A_204 = arith.constant 1024 : i32
    %dma_wait3A_205 = tpu.memref_slice %arg5[%dma_wait3A_204] : memref<10240xi32, #tpu.memory_space<vmem>> -> memref<512xi32, #tpu.memory_space<vmem>>
    %dma_wait3A_206 = tpu.memref_slice %arg2[%dma_wait3A_199, %mul3A_2] : memref<20x16384xi32, #tpu.memory_space<hbm>> -> memref<1x512xi32, #tpu.memory_space<hbm>>
    %dma_wait3A_207 = tpu.memref_squeeze %dma_wait3A_206 : memref<1x512xi32, #tpu.memory_space<hbm>> -> memref<512xi32, #tpu.memory_space<hbm>>
    tpu.wait_dma2 semaphore(%arg8 : memref<!tpu.dma_semaphore, #tpu.memory_space<semaphore_mem>>) src(%dma_wait3A_207 : memref<512xi32, #tpu.memory_space<hbm>>) dst(%dma_wait3A_205 : memref<512xi32, #tpu.memory_space<vmem>>)
    %dma_wait3A_208 = arith.constant 3 : i32
    %dma_wait3A_209 = arith.constant 1536 : i32
    %dma_wait3A_210 = tpu.memref_slice %arg5[%dma_wait3A_209] : memref<10240xi32, #tpu.memory_space<vmem>> -> memref<512xi32, #tpu.memory_space<vmem>>
    %dma_wait3A_211 = tpu.memref_slice %arg2[%dma_wait3A_208, %mul3A_2] : memref<20x16384xi32, #tpu.memory_space<hbm>> -> memref<1x512xi32, #tpu.memory_space<hbm>>
    %dma_wait3A_212 = tpu.memref_squeeze %dma_wait3A_211 : memref<1x512xi32, #tpu.memory_space<hbm>> -> memref<512xi32, #tpu.memory_space<hbm>>
    %dma_wait3A_213 = arith.constant 1536 : i32
    %dma_wait3A_214 = tpu.memref_slice %arg5[%dma_wait3A_213] : memref<10240xi32, #tpu.memory_space<vmem>> -> memref<512xi32, #tpu.memory_space<vmem>>
    %dma_wait3A_215 = tpu.memref_slice %arg2[%dma_wait3A_208, %mul3A_2] : memref<20x16384xi32, #tpu.memory_space<hbm>> -> memref<1x512xi32, #tpu.memory_space<hbm>>
    %dma_wait3A_216 = tpu.memref_squeeze %dma_wait3A_215 : memref<1x512xi32, #tpu.memory_space<hbm>> -> memref<512xi32, #tpu.memory_space<hbm>>
    tpu.wait_dma2 semaphore(%arg8 : memref<!tpu.dma_semaphore, #tpu.memory_space<semaphore_mem>>) src(%dma_wait3A_216 : memref<512xi32, #tpu.memory_space<hbm>>) dst(%dma_wait3A_214 : memref<512xi32, #tpu.memory_space<vmem>>)
    %dma_wait3A_217 = arith.constant 4 : i32
    %dma_wait3A_218 = arith.constant 2048 : i32
    %dma_wait3A_219 = tpu.memref_slice %arg5[%dma_wait3A_218] : memref<10240xi32, #tpu.memory_space<vmem>> -> memref<512xi32, #tpu.memory_space<vmem>>
    %dma_wait3A_220 = tpu.memref_slice %arg2[%dma_wait3A_217, %mul3A_2] : memref<20x16384xi32, #tpu.memory_space<hbm>> -> memref<1x512xi32, #tpu.memory_space<hbm>>
    %dma_wait3A_221 = tpu.memref_squeeze %dma_wait3A_220 : memref<1x512xi32, #tpu.memory_space<hbm>> -> memref<512xi32, #tpu.memory_space<hbm>>
    %dma_wait3A_222 = arith.constant 2048 : i32
    %dma_wait3A_223 = tpu.memref_slice %arg5[%dma_wait3A_222] : memref<10240xi32, #tpu.memory_space<vmem>> -> memref<512xi32, #tpu.memory_space<vmem>>
    %dma_wait3A_224 = tpu.memref_slice %arg2[%dma_wait3A_217, %mul3A_2] : memref<20x16384xi32, #tpu.memory_space<hbm>> -> memref<1x512xi32, #tpu.memory_space<hbm>>
    %dma_wait3A_225 = tpu.memref_squeeze %dma_wait3A_224 : memref<1x512xi32, #tpu.memory_space<hbm>> -> memref<512xi32, #tpu.memory_space<hbm>>
    tpu.wait_dma2 semaphore(%arg8 : memref<!tpu.dma_semaphore, #tpu.memory_space<semaphore_mem>>) src(%dma_wait3A_225 : memref<512xi32, #tpu.memory_space<hbm>>) dst(%dma_wait3A_223 : memref<512xi32, #tpu.memory_space<vmem>>)
    %dma_wait3A_226 = arith.constant 5 : i32
    %dma_wait3A_227 = arith.constant 2560 : i32
    %dma_wait3A_228 = tpu.memref_slice %arg5[%dma_wait3A_227] : memref<10240xi32, #tpu.memory_space<vmem>> -> memref<512xi32, #tpu.memory_space<vmem>>
    %dma_wait3A_229 = tpu.memref_slice %arg2[%dma_wait3A_226, %mul3A_2] : memref<20x16384xi32, #tpu.memory_space<hbm>> -> memref<1x512xi32, #tpu.memory_space<hbm>>
    %dma_wait3A_230 = tpu.memref_squeeze %dma_wait3A_229 : memref<1x512xi32, #tpu.memory_space<hbm>> -> memref<512xi32, #tpu.memory_space<hbm>>
    %dma_wait3A_231 = arith.constant 2560 : i32
    %dma_wait3A_232 = tpu.memref_slice %arg5[%dma_wait3A_231] : memref<10240xi32, #tpu.memory_space<vmem>> -> memref<512xi32, #tpu.memory_space<vmem>>
    %dma_wait3A_233 = tpu.memref_slice %arg2[%dma_wait3A_226, %mul3A_2] : memref<20x16384xi32, #tpu.memory_space<hbm>> -> memref<1x512xi32, #tpu.memory_space<hbm>>
    %dma_wait3A_234 = tpu.memref_squeeze %dma_wait3A_233 : memref<1x512xi32, #tpu.memory_space<hbm>> -> memref<512xi32, #tpu.memory_space<hbm>>
    tpu.wait_dma2 semaphore(%arg8 : memref<!tpu.dma_semaphore, #tpu.memory_space<semaphore_mem>>) src(%dma_wait3A_234 : memref<512xi32, #tpu.memory_space<hbm>>) dst(%dma_wait3A_232 : memref<512xi32, #tpu.memory_space<vmem>>)
    %dma_wait3A_235 = arith.constant 6 : i32
    %dma_wait3A_236 = arith.constant 3072 : i32
    %dma_wait3A_237 = tpu.memref_slice %arg5[%dma_wait3A_236] : memref<10240xi32, #tpu.memory_space<vmem>> -> memref<512xi32, #tpu.memory_space<vmem>>
    %dma_wait3A_238 = tpu.memref_slice %arg2[%dma_wait3A_235, %mul3A_2] : memref<20x16384xi32, #tpu.memory_space<hbm>> -> memref<1x512xi32, #tpu.memory_space<hbm>>
    %dma_wait3A_239 = tpu.memref_squeeze %dma_wait3A_238 : memref<1x512xi32, #tpu.memory_space<hbm>> -> memref<512xi32, #tpu.memory_space<hbm>>
    %dma_wait3A_240 = arith.constant 3072 : i32
    %dma_wait3A_241 = tpu.memref_slice %arg5[%dma_wait3A_240] : memref<10240xi32, #tpu.memory_space<vmem>> -> memref<512xi32, #tpu.memory_space<vmem>>
    %dma_wait3A_242 = tpu.memref_slice %arg2[%dma_wait3A_235, %mul3A_2] : memref<20x16384xi32, #tpu.memory_space<hbm>> -> memref<1x512xi32, #tpu.memory_space<hbm>>
    %dma_wait3A_243 = tpu.memref_squeeze %dma_wait3A_242 : memref<1x512xi32, #tpu.memory_space<hbm>> -> memref<512xi32, #tpu.memory_space<hbm>>
    tpu.wait_dma2 semaphore(%arg8 : memref<!tpu.dma_semaphore, #tpu.memory_space<semaphore_mem>>) src(%dma_wait3A_243 : memref<512xi32, #tpu.memory_space<hbm>>) dst(%dma_wait3A_241 : memref<512xi32, #tpu.memory_space<vmem>>)
    %dma_wait3A_244 = arith.constant 7 : i32
    %dma_wait3A_245 = arith.constant 3584 : i32
    %dma_wait3A_246 = tpu.memref_slice %arg5[%dma_wait3A_245] : memref<10240xi32, #tpu.memory_space<vmem>> -> memref<512xi32, #tpu.memory_space<vmem>>
    %dma_wait3A_247 = tpu.memref_slice %arg2[%dma_wait3A_244, %mul3A_2] : memref<20x16384xi32, #tpu.memory_space<hbm>> -> memref<1x512xi32, #tpu.memory_space<hbm>>
    %dma_wait3A_248 = tpu.memref_squeeze %dma_wait3A_247 : memref<1x512xi32, #tpu.memory_space<hbm>> -> memref<512xi32, #tpu.memory_space<hbm>>
    %dma_wait3A_249 = arith.constant 3584 : i32
    %dma_wait3A_250 = tpu.memref_slice %arg5[%dma_wait3A_249] : memref<10240xi32, #tpu.memory_space<vmem>> -> memref<512xi32, #tpu.memory_space<vmem>>
    %dma_wait3A_251 = tpu.memref_slice %arg2[%dma_wait3A_244, %mul3A_2] : memref<20x16384xi32, #tpu.memory_space<hbm>> -> memref<1x512xi32, #tpu.memory_space<hbm>>
    %dma_wait3A_252 = tpu.memref_squeeze %dma_wait3A_251 : memref<1x512xi32, #tpu.memory_space<hbm>> -> memref<512xi32, #tpu.memory_space<hbm>>
    tpu.wait_dma2 semaphore(%arg8 : memref<!tpu.dma_semaphore, #tpu.memory_space<semaphore_mem>>) src(%dma_wait3A_252 : memref<512xi32, #tpu.memory_space<hbm>>) dst(%dma_wait3A_250 : memref<512xi32, #tpu.memory_space<vmem>>)
    %dma_wait3A_253 = arith.constant 8 : i32
    %dma_wait3A_254 = arith.constant 4096 : i32
    %dma_wait3A_255 = tpu.memref_slice %arg5[%dma_wait3A_254] : memref<10240xi32, #tpu.memory_space<vmem>> -> memref<512xi32, #tpu.memory_space<vmem>>
    %dma_wait3A_256 = tpu.memref_slice %arg2[%dma_wait3A_253, %mul3A_2] : memref<20x16384xi32, #tpu.memory_space<hbm>> -> memref<1x512xi32, #tpu.memory_space<hbm>>
    %dma_wait3A_257 = tpu.memref_squeeze %dma_wait3A_256 : memref<1x512xi32, #tpu.memory_space<hbm>> -> memref<512xi32, #tpu.memory_space<hbm>>
    %dma_wait3A_258 = arith.constant 4096 : i32
    %dma_wait3A_259 = tpu.memref_slice %arg5[%dma_wait3A_258] : memref<10240xi32, #tpu.memory_space<vmem>> -> memref<512xi32, #tpu.memory_space<vmem>>
    %dma_wait3A_260 = tpu.memref_slice %arg2[%dma_wait3A_253, %mul3A_2] : memref<20x16384xi32, #tpu.memory_space<hbm>> -> memref<1x512xi32, #tpu.memory_space<hbm>>
    %dma_wait3A_261 = tpu.memref_squeeze %dma_wait3A_260 : memref<1x512xi32, #tpu.memory_space<hbm>> -> memref<512xi32, #tpu.memory_space<hbm>>
    tpu.wait_dma2 semaphore(%arg8 : memref<!tpu.dma_semaphore, #tpu.memory_space<semaphore_mem>>) src(%dma_wait3A_261 : memref<512xi32, #tpu.memory_space<hbm>>) dst(%dma_wait3A_259 : memref<512xi32, #tpu.memory_space<vmem>>)
    %dma_wait3A_262 = arith.constant 9 : i32
    %dma_wait3A_263 = arith.constant 4608 : i32
    %dma_wait3A_264 = tpu.memref_slice %arg5[%dma_wait3A_263] : memref<10240xi32, #tpu.memory_space<vmem>> -> memref<512xi32, #tpu.memory_space<vmem>>
    %dma_wait3A_265 = tpu.memref_slice %arg2[%dma_wait3A_262, %mul3A_2] : memref<20x16384xi32, #tpu.memory_space<hbm>> -> memref<1x512xi32, #tpu.memory_space<hbm>>
    %dma_wait3A_266 = tpu.memref_squeeze %dma_wait3A_265 : memref<1x512xi32, #tpu.memory_space<hbm>> -> memref<512xi32, #tpu.memory_space<hbm>>
    %dma_wait3A_267 = arith.constant 4608 : i32
    %dma_wait3A_268 = tpu.memref_slice %arg5[%dma_wait3A_267] : memref<10240xi32, #tpu.memory_space<vmem>> -> memref<512xi32, #tpu.memory_space<vmem>>
    %dma_wait3A_269 = tpu.memref_slice %arg2[%dma_wait3A_262, %mul3A_2] : memref<20x16384xi32, #tpu.memory_space<hbm>> -> memref<1x512xi32, #tpu.memory_space<hbm>>
    %dma_wait3A_270 = tpu.memref_squeeze %dma_wait3A_269 : memref<1x512xi32, #tpu.memory_space<hbm>> -> memref<512xi32, #tpu.memory_space<hbm>>
    tpu.wait_dma2 semaphore(%arg8 : memref<!tpu.dma_semaphore, #tpu.memory_space<semaphore_mem>>) src(%dma_wait3A_270 : memref<512xi32, #tpu.memory_space<hbm>>) dst(%dma_wait3A_268 : memref<512xi32, #tpu.memory_space<vmem>>)
    %dma_wait3A_271 = arith.constant 10 : i32
    %dma_wait3A_272 = arith.constant 5120 : i32
    %dma_wait3A_273 = tpu.memref_slice %arg5[%dma_wait3A_272] : memref<10240xi32, #tpu.memory_space<vmem>> -> memref<512xi32, #tpu.memory_space<vmem>>
    %dma_wait3A_274 = tpu.memref_slice %arg2[%dma_wait3A_271, %mul3A_2] : memref<20x16384xi32, #tpu.memory_space<hbm>> -> memref<1x512xi32, #tpu.memory_space<hbm>>
    %dma_wait3A_275 = tpu.memref_squeeze %dma_wait3A_274 : memref<1x512xi32, #tpu.memory_space<hbm>> -> memref<512xi32, #tpu.memory_space<hbm>>
    %dma_wait3A_276 = arith.constant 5120 : i32
    %dma_wait3A_277 = tpu.memref_slice %arg5[%dma_wait3A_276] : memref<10240xi32, #tpu.memory_space<vmem>> -> memref<512xi32, #tpu.memory_space<vmem>>
    %dma_wait3A_278 = tpu.memref_slice %arg2[%dma_wait3A_271, %mul3A_2] : memref<20x16384xi32, #tpu.memory_space<hbm>> -> memref<1x512xi32, #tpu.memory_space<hbm>>
    %dma_wait3A_279 = tpu.memref_squeeze %dma_wait3A_278 : memref<1x512xi32, #tpu.memory_space<hbm>> -> memref<512xi32, #tpu.memory_space<hbm>>
    tpu.wait_dma2 semaphore(%arg8 : memref<!tpu.dma_semaphore, #tpu.memory_space<semaphore_mem>>) src(%dma_wait3A_279 : memref<512xi32, #tpu.memory_space<hbm>>) dst(%dma_wait3A_277 : memref<512xi32, #tpu.memory_space<vmem>>)
    %dma_wait3A_280 = arith.constant 11 : i32
    %dma_wait3A_281 = arith.constant 5632 : i32
    %dma_wait3A_282 = tpu.memref_slice %arg5[%dma_wait3A_281] : memref<10240xi32, #tpu.memory_space<vmem>> -> memref<512xi32, #tpu.memory_space<vmem>>
    %dma_wait3A_283 = tpu.memref_slice %arg2[%dma_wait3A_280, %mul3A_2] : memref<20x16384xi32, #tpu.memory_space<hbm>> -> memref<1x512xi32, #tpu.memory_space<hbm>>
    %dma_wait3A_284 = tpu.memref_squeeze %dma_wait3A_283 : memref<1x512xi32, #tpu.memory_space<hbm>> -> memref<512xi32, #tpu.memory_space<hbm>>
    %dma_wait3A_285 = arith.constant 5632 : i32
    %dma_wait3A_286 = tpu.memref_slice %arg5[%dma_wait3A_285] : memref<10240xi32, #tpu.memory_space<vmem>> -> memref<512xi32, #tpu.memory_space<vmem>>
    %dma_wait3A_287 = tpu.memref_slice %arg2[%dma_wait3A_280, %mul3A_2] : memref<20x16384xi32, #tpu.memory_space<hbm>> -> memref<1x512xi32, #tpu.memory_space<hbm>>
    %dma_wait3A_288 = tpu.memref_squeeze %dma_wait3A_287 : memref<1x512xi32, #tpu.memory_space<hbm>> -> memref<512xi32, #tpu.memory_space<hbm>>
    tpu.wait_dma2 semaphore(%arg8 : memref<!tpu.dma_semaphore, #tpu.memory_space<semaphore_mem>>) src(%dma_wait3A_288 : memref<512xi32, #tpu.memory_space<hbm>>) dst(%dma_wait3A_286 : memref<512xi32, #tpu.memory_space<vmem>>)
    %dma_wait3A_289 = arith.constant 12 : i32
    %dma_wait3A_290 = arith.constant 6144 : i32
    %dma_wait3A_291 = tpu.memref_slice %arg5[%dma_wait3A_290] : memref<10240xi32, #tpu.memory_space<vmem>> -> memref<512xi32, #tpu.memory_space<vmem>>
    %dma_wait3A_292 = tpu.memref_slice %arg2[%dma_wait3A_289, %mul3A_2] : memref<20x16384xi32, #tpu.memory_space<hbm>> -> memref<1x512xi32, #tpu.memory_space<hbm>>
    %dma_wait3A_293 = tpu.memref_squeeze %dma_wait3A_292 : memref<1x512xi32, #tpu.memory_space<hbm>> -> memref<512xi32, #tpu.memory_space<hbm>>
    %dma_wait3A_294 = arith.constant 6144 : i32
    %dma_wait3A_295 = tpu.memref_slice %arg5[%dma_wait3A_294] : memref<10240xi32, #tpu.memory_space<vmem>> -> memref<512xi32, #tpu.memory_space<vmem>>
    %dma_wait3A_296 = tpu.memref_slice %arg2[%dma_wait3A_289, %mul3A_2] : memref<20x16384xi32, #tpu.memory_space<hbm>> -> memref<1x512xi32, #tpu.memory_space<hbm>>
    %dma_wait3A_297 = tpu.memref_squeeze %dma_wait3A_296 : memref<1x512xi32, #tpu.memory_space<hbm>> -> memref<512xi32, #tpu.memory_space<hbm>>
    tpu.wait_dma2 semaphore(%arg8 : memref<!tpu.dma_semaphore, #tpu.memory_space<semaphore_mem>>) src(%dma_wait3A_297 : memref<512xi32, #tpu.memory_space<hbm>>) dst(%dma_wait3A_295 : memref<512xi32, #tpu.memory_space<vmem>>)
    %dma_wait3A_298 = arith.constant 13 : i32
    %dma_wait3A_299 = arith.constant 6656 : i32
    %dma_wait3A_300 = tpu.memref_slice %arg5[%dma_wait3A_299] : memref<10240xi32, #tpu.memory_space<vmem>> -> memref<512xi32, #tpu.memory_space<vmem>>
    %dma_wait3A_301 = tpu.memref_slice %arg2[%dma_wait3A_298, %mul3A_2] : memref<20x16384xi32, #tpu.memory_space<hbm>> -> memref<1x512xi32, #tpu.memory_space<hbm>>
    %dma_wait3A_302 = tpu.memref_squeeze %dma_wait3A_301 : memref<1x512xi32, #tpu.memory_space<hbm>> -> memref<512xi32, #tpu.memory_space<hbm>>
    %dma_wait3A_303 = arith.constant 6656 : i32
    %dma_wait3A_304 = tpu.memref_slice %arg5[%dma_wait3A_303] : memref<10240xi32, #tpu.memory_space<vmem>> -> memref<512xi32, #tpu.memory_space<vmem>>
    %dma_wait3A_305 = tpu.memref_slice %arg2[%dma_wait3A_298, %mul3A_2] : memref<20x16384xi32, #tpu.memory_space<hbm>> -> memref<1x512xi32, #tpu.memory_space<hbm>>
    %dma_wait3A_306 = tpu.memref_squeeze %dma_wait3A_305 : memref<1x512xi32, #tpu.memory_space<hbm>> -> memref<512xi32, #tpu.memory_space<hbm>>
    tpu.wait_dma2 semaphore(%arg8 : memref<!tpu.dma_semaphore, #tpu.memory_space<semaphore_mem>>) src(%dma_wait3A_306 : memref<512xi32, #tpu.memory_space<hbm>>) dst(%dma_wait3A_304 : memref<512xi32, #tpu.memory_space<vmem>>)
    %dma_wait3A_307 = arith.constant 14 : i32
    %dma_wait3A_308 = arith.constant 7168 : i32
    %dma_wait3A_309 = tpu.memref_slice %arg5[%dma_wait3A_308] : memref<10240xi32, #tpu.memory_space<vmem>> -> memref<512xi32, #tpu.memory_space<vmem>>
    %dma_wait3A_310 = tpu.memref_slice %arg2[%dma_wait3A_307, %mul3A_2] : memref<20x16384xi32, #tpu.memory_space<hbm>> -> memref<1x512xi32, #tpu.memory_space<hbm>>
    %dma_wait3A_311 = tpu.memref_squeeze %dma_wait3A_310 : memref<1x512xi32, #tpu.memory_space<hbm>> -> memref<512xi32, #tpu.memory_space<hbm>>
    %dma_wait3A_312 = arith.constant 7168 : i32
    %dma_wait3A_313 = tpu.memref_slice %arg5[%dma_wait3A_312] : memref<10240xi32, #tpu.memory_space<vmem>> -> memref<512xi32, #tpu.memory_space<vmem>>
    %dma_wait3A_314 = tpu.memref_slice %arg2[%dma_wait3A_307, %mul3A_2] : memref<20x16384xi32, #tpu.memory_space<hbm>> -> memref<1x512xi32, #tpu.memory_space<hbm>>
    %dma_wait3A_315 = tpu.memref_squeeze %dma_wait3A_314 : memref<1x512xi32, #tpu.memory_space<hbm>> -> memref<512xi32, #tpu.memory_space<hbm>>
    tpu.wait_dma2 semaphore(%arg8 : memref<!tpu.dma_semaphore, #tpu.memory_space<semaphore_mem>>) src(%dma_wait3A_315 : memref<512xi32, #tpu.memory_space<hbm>>) dst(%dma_wait3A_313 : memref<512xi32, #tpu.memory_space<vmem>>)
    %dma_wait3A_316 = arith.constant 15 : i32
    %dma_wait3A_317 = arith.constant 7680 : i32
    %dma_wait3A_318 = tpu.memref_slice %arg5[%dma_wait3A_317] : memref<10240xi32, #tpu.memory_space<vmem>> -> memref<512xi32, #tpu.memory_space<vmem>>
    %dma_wait3A_319 = tpu.memref_slice %arg2[%dma_wait3A_316, %mul3A_2] : memref<20x16384xi32, #tpu.memory_space<hbm>> -> memref<1x512xi32, #tpu.memory_space<hbm>>
    %dma_wait3A_320 = tpu.memref_squeeze %dma_wait3A_319 : memref<1x512xi32, #tpu.memory_space<hbm>> -> memref<512xi32, #tpu.memory_space<hbm>>
    %dma_wait3A_321 = arith.constant 7680 : i32
    %dma_wait3A_322 = tpu.memref_slice %arg5[%dma_wait3A_321] : memref<10240xi32, #tpu.memory_space<vmem>> -> memref<512xi32, #tpu.memory_space<vmem>>
    %dma_wait3A_323 = tpu.memref_slice %arg2[%dma_wait3A_316, %mul3A_2] : memref<20x16384xi32, #tpu.memory_space<hbm>> -> memref<1x512xi32, #tpu.memory_space<hbm>>
    %dma_wait3A_324 = tpu.memref_squeeze %dma_wait3A_323 : memref<1x512xi32, #tpu.memory_space<hbm>> -> memref<512xi32, #tpu.memory_space<hbm>>
    tpu.wait_dma2 semaphore(%arg8 : memref<!tpu.dma_semaphore, #tpu.memory_space<semaphore_mem>>) src(%dma_wait3A_324 : memref<512xi32, #tpu.memory_space<hbm>>) dst(%dma_wait3A_322 : memref<512xi32, #tpu.memory_space<vmem>>)
    %dma_wait3A_325 = arith.constant 16 : i32
    %dma_wait3A_326 = arith.constant 8192 : i32
    %dma_wait3A_327 = tpu.memref_slice %arg5[%dma_wait3A_326] : memref<10240xi32, #tpu.memory_space<vmem>> -> memref<512xi32, #tpu.memory_space<vmem>>
    %dma_wait3A_328 = tpu.memref_slice %arg2[%dma_wait3A_325, %mul3A_2] : memref<20x16384xi32, #tpu.memory_space<hbm>> -> memref<1x512xi32, #tpu.memory_space<hbm>>
    %dma_wait3A_329 = tpu.memref_squeeze %dma_wait3A_328 : memref<1x512xi32, #tpu.memory_space<hbm>> -> memref<512xi32, #tpu.memory_space<hbm>>
    %dma_wait3A_330 = arith.constant 8192 : i32
    %dma_wait3A_331 = tpu.memref_slice %arg5[%dma_wait3A_330] : memref<10240xi32, #tpu.memory_space<vmem>> -> memref<512xi32, #tpu.memory_space<vmem>>
    %dma_wait3A_332 = tpu.memref_slice %arg2[%dma_wait3A_325, %mul3A_2] : memref<20x16384xi32, #tpu.memory_space<hbm>> -> memref<1x512xi32, #tpu.memory_space<hbm>>
    %dma_wait3A_333 = tpu.memref_squeeze %dma_wait3A_332 : memref<1x512xi32, #tpu.memory_space<hbm>> -> memref<512xi32, #tpu.memory_space<hbm>>
    tpu.wait_dma2 semaphore(%arg8 : memref<!tpu.dma_semaphore, #tpu.memory_space<semaphore_mem>>) src(%dma_wait3A_333 : memref<512xi32, #tpu.memory_space<hbm>>) dst(%dma_wait3A_331 : memref<512xi32, #tpu.memory_space<vmem>>)
    %dma_wait3A_334 = arith.constant 17 : i32
    %dma_wait3A_335 = arith.constant 8704 : i32
    %dma_wait3A_336 = tpu.memref_slice %arg5[%dma_wait3A_335] : memref<10240xi32, #tpu.memory_space<vmem>> -> memref<512xi32, #tpu.memory_space<vmem>>
    %dma_wait3A_337 = tpu.memref_slice %arg2[%dma_wait3A_334, %mul3A_2] : memref<20x16384xi32, #tpu.memory_space<hbm>> -> memref<1x512xi32, #tpu.memory_space<hbm>>
    %dma_wait3A_338 = tpu.memref_squeeze %dma_wait3A_337 : memref<1x512xi32, #tpu.memory_space<hbm>> -> memref<512xi32, #tpu.memory_space<hbm>>
    %dma_wait3A_339 = arith.constant 8704 : i32
    %dma_wait3A_340 = tpu.memref_slice %arg5[%dma_wait3A_339] : memref<10240xi32, #tpu.memory_space<vmem>> -> memref<512xi32, #tpu.memory_space<vmem>>
    %dma_wait3A_341 = tpu.memref_slice %arg2[%dma_wait3A_334, %mul3A_2] : memref<20x16384xi32, #tpu.memory_space<hbm>> -> memref<1x512xi32, #tpu.memory_space<hbm>>
    %dma_wait3A_342 = tpu.memref_squeeze %dma_wait3A_341 : memref<1x512xi32, #tpu.memory_space<hbm>> -> memref<512xi32, #tpu.memory_space<hbm>>
    tpu.wait_dma2 semaphore(%arg8 : memref<!tpu.dma_semaphore, #tpu.memory_space<semaphore_mem>>) src(%dma_wait3A_342 : memref<512xi32, #tpu.memory_space<hbm>>) dst(%dma_wait3A_340 : memref<512xi32, #tpu.memory_space<vmem>>)
    %dma_wait3A_343 = arith.constant 18 : i32
    %dma_wait3A_344 = arith.constant 9216 : i32
    %dma_wait3A_345 = tpu.memref_slice %arg5[%dma_wait3A_344] : memref<10240xi32, #tpu.memory_space<vmem>> -> memref<512xi32, #tpu.memory_space<vmem>>
    %dma_wait3A_346 = tpu.memref_slice %arg2[%dma_wait3A_343, %mul3A_2] : memref<20x16384xi32, #tpu.memory_space<hbm>> -> memref<1x512xi32, #tpu.memory_space<hbm>>
    %dma_wait3A_347 = tpu.memref_squeeze %dma_wait3A_346 : memref<1x512xi32, #tpu.memory_space<hbm>> -> memref<512xi32, #tpu.memory_space<hbm>>
    %dma_wait3A_348 = arith.constant 9216 : i32
    %dma_wait3A_349 = tpu.memref_slice %arg5[%dma_wait3A_348] : memref<10240xi32, #tpu.memory_space<vmem>> -> memref<512xi32, #tpu.memory_space<vmem>>
    %dma_wait3A_350 = tpu.memref_slice %arg2[%dma_wait3A_343, %mul3A_2] : memref<20x16384xi32, #tpu.memory_space<hbm>> -> memref<1x512xi32, #tpu.memory_space<hbm>>
    %dma_wait3A_351 = tpu.memref_squeeze %dma_wait3A_350 : memref<1x512xi32, #tpu.memory_space<hbm>> -> memref<512xi32, #tpu.memory_space<hbm>>
    tpu.wait_dma2 semaphore(%arg8 : memref<!tpu.dma_semaphore, #tpu.memory_space<semaphore_mem>>) src(%dma_wait3A_351 : memref<512xi32, #tpu.memory_space<hbm>>) dst(%dma_wait3A_349 : memref<512xi32, #tpu.memory_space<vmem>>)
    %dma_wait3A_352 = arith.constant 19 : i32
    %dma_wait3A_353 = arith.constant 9728 : i32
    %dma_wait3A_354 = tpu.memref_slice %arg5[%dma_wait3A_353] : memref<10240xi32, #tpu.memory_space<vmem>> -> memref<512xi32, #tpu.memory_space<vmem>>
    %dma_wait3A_355 = tpu.memref_slice %arg2[%dma_wait3A_352, %mul3A_2] : memref<20x16384xi32, #tpu.memory_space<hbm>> -> memref<1x512xi32, #tpu.memory_space<hbm>>
    %dma_wait3A_356 = tpu.memref_squeeze %dma_wait3A_355 : memref<1x512xi32, #tpu.memory_space<hbm>> -> memref<512xi32, #tpu.memory_space<hbm>>
    %dma_wait3A_357 = arith.constant 9728 : i32
    %dma_wait3A_358 = tpu.memref_slice %arg5[%dma_wait3A_357] : memref<10240xi32, #tpu.memory_space<vmem>> -> memref<512xi32, #tpu.memory_space<vmem>>
    %dma_wait3A_359 = tpu.memref_slice %arg2[%dma_wait3A_352, %mul3A_2] : memref<20x16384xi32, #tpu.memory_space<hbm>> -> memref<1x512xi32, #tpu.memory_space<hbm>>
    %dma_wait3A_360 = tpu.memref_squeeze %dma_wait3A_359 : memref<1x512xi32, #tpu.memory_space<hbm>> -> memref<512xi32, #tpu.memory_space<hbm>>
    tpu.wait_dma2 semaphore(%arg8 : memref<!tpu.dma_semaphore, #tpu.memory_space<semaphore_mem>>) src(%dma_wait3A_360 : memref<512xi32, #tpu.memory_space<hbm>>) dst(%dma_wait3A_358 : memref<512xi32, #tpu.memory_space<vmem>>)
    %dma_start3A_361 = arith.constant 0 : i32
    %dma_start3A_362 = tpu.memref_slice %arg3[%dma_start3A_361] : memref<1000448xf32, #tpu.memory_space<hbm>> -> memref<1000448xf32, #tpu.memory_space<hbm>>
    tpu.enqueue_indirect_dma source(%dma_start3A_362 : memref<1000448xf32, #tpu.memory_space<hbm>>) target(%arg6 : memref<10240xf32, #tpu.memory_space<vmem>>) offsets(%arg5 : memref<10240xi32, #tpu.memory_space<vmem>>) semaphore(%arg8 : memref<!tpu.dma_semaphore, #tpu.memory_space<semaphore_mem>>)
    %dma_wait3A_363 = arith.constant 0 : i32
    %dma_wait3A_364 = tpu.memref_slice %arg3[%dma_wait3A_363] : memref<1000448xf32, #tpu.memory_space<hbm>> -> memref<1000448xf32, #tpu.memory_space<hbm>>
    tpu.wait_indirect_dma semaphore(%arg8 : memref<!tpu.dma_semaphore, #tpu.memory_space<semaphore_mem>>) src(%dma_wait3A_364 : memref<1000448xf32, #tpu.memory_space<hbm>>) dst(%arg6 : memref<10240xf32, #tpu.memory_space<vmem>>)
    %scan3A = arith.constant 0 : i32
    %scan3A_365 = arith.constant 32 : i32
    %scan3A_366 = arith.addi %scan3A, %scan3A_365 : i32
    %scan3A_367 = arith.constant 1 : i32
    scf.for %scan3A_369 = %scan3A to %scan3A_366 step %scan3A_367  : i32 {
      %mul3A_370 = arith.constant 16 : i32
      %mul3A_371 = arith.muli %scan3A_369, %mul3A_370 : i32
      %add3A_372 = arith.constant 0 : i32
      %add3A_373 = arith.addi %add3A_372, %mul3A_371 : i32
      %get3A = arith.index_cast %add3A_373 : i32 to index
      %get3A_374 = tpu.vector_load %arg6[%get3A] {strides = array<i32>} : memref<10240xf32, #tpu.memory_space<vmem>>, vector<16xf32>,
      %add3A_375 = arith.constant 512 : i32
      %add3A_376 = arith.addi %add3A_375, %mul3A_371 : i32
      %get3A_377 = arith.index_cast %add3A_376 : i32 to index
      %get3A_378 = tpu.vector_load %arg6[%get3A_377] {strides = array<i32>} : memref<10240xf32, #tpu.memory_space<vmem>>, vector<16xf32>,
      %add3A_379 = arith.constant 1024 : i32
      %add3A_380 = arith.addi %add3A_379, %mul3A_371 : i32
      %get3A_381 = arith.index_cast %add3A_380 : i32 to index
      %get3A_382 = tpu.vector_load %arg6[%get3A_381] {strides = array<i32>} : memref<10240xf32, #tpu.memory_space<vmem>>, vector<16xf32>,
      %add3A_383 = arith.constant 1536 : i32
      %add3A_384 = arith.addi %add3A_383, %mul3A_371 : i32
      %get3A_385 = arith.index_cast %add3A_384 : i32 to index
      %get3A_386 = tpu.vector_load %arg6[%get3A_385] {strides = array<i32>} : memref<10240xf32, #tpu.memory_space<vmem>>, vector<16xf32>,
      %add3A_387 = arith.constant 2048 : i32
      %add3A_388 = arith.addi %add3A_387, %mul3A_371 : i32
      %get3A_389 = arith.index_cast %add3A_388 : i32 to index
      %get3A_390 = tpu.vector_load %arg6[%get3A_389] {strides = array<i32>} : memref<10240xf32, #tpu.memory_space<vmem>>, vector<16xf32>,
      %add3A_391 = arith.constant 2560 : i32
      %add3A_392 = arith.addi %add3A_391, %mul3A_371 : i32
      %get3A_393 = arith.index_cast %add3A_392 : i32 to index
      %get3A_394 = tpu.vector_load %arg6[%get3A_393] {strides = array<i32>} : memref<10240xf32, #tpu.memory_space<vmem>>, vector<16xf32>,
      %add3A_395 = arith.constant 3072 : i32
      %add3A_396 = arith.addi %add3A_395, %mul3A_371 : i32
      %get3A_397 = arith.index_cast %add3A_396 : i32 to index
      %get3A_398 = tpu.vector_load %arg6[%get3A_397] {strides = array<i32>} : memref<10240xf32, #tpu.memory_space<vmem>>, vector<16xf32>,
      %add3A_399 = arith.constant 3584 : i32
      %add3A_400 = arith.addi %add3A_399, %mul3A_371 : i32
      %get3A_401 = arith.index_cast %add3A_400 : i32 to index
      %get3A_402 = tpu.vector_load %arg6[%get3A_401] {strides = array<i32>} : memref<10240xf32, #tpu.memory_space<vmem>>, vector<16xf32>,
      %add3A_403 = arith.constant 4096 : i32
      %add3A_404 = arith.addi %add3A_403, %mul3A_371 : i32
      %get3A_405 = arith.index_cast %add3A_404 : i32 to index
      %get3A_406 = tpu.vector_load %arg6[%get3A_405] {strides = array<i32>} : memref<10240xf32, #tpu.memory_space<vmem>>, vector<16xf32>,
      %add3A_407 = arith.constant 4608 : i32
      %add3A_408 = arith.addi %add3A_407, %mul3A_371 : i32
      %get3A_409 = arith.index_cast %add3A_408 : i32 to index
      %get3A_410 = tpu.vector_load %arg6[%get3A_409] {strides = array<i32>} : memref<10240xf32, #tpu.memory_space<vmem>>, vector<16xf32>,
      %add3A_411 = arith.constant 5120 : i32
      %add3A_412 = arith.addi %add3A_411, %mul3A_371 : i32
      %get3A_413 = arith.index_cast %add3A_412 : i32 to index
      %get3A_414 = tpu.vector_load %arg6[%get3A_413] {strides = array<i32>} : memref<10240xf32, #tpu.memory_space<vmem>>, vector<16xf32>,
      %add3A_415 = arith.constant 5632 : i32
      %add3A_416 = arith.addi %add3A_415, %mul3A_371 : i32
      %get3A_417 = arith.index_cast %add3A_416 : i32 to index
      %get3A_418 = tpu.vector_load %arg6[%get3A_417] {strides = array<i32>} : memref<10240xf32, #tpu.memory_space<vmem>>, vector<16xf32>,
      %add3A_419 = arith.constant 6144 : i32
      %add3A_420 = arith.addi %add3A_419, %mul3A_371 : i32
      %get3A_421 = arith.index_cast %add3A_420 : i32 to index
      %get3A_422 = tpu.vector_load %arg6[%get3A_421] {strides = array<i32>} : memref<10240xf32, #tpu.memory_space<vmem>>, vector<16xf32>,
      %add3A_423 = arith.constant 6656 : i32
      %add3A_424 = arith.addi %add3A_423, %mul3A_371 : i32
      %get3A_425 = arith.index_cast %add3A_424 : i32 to index
      %get3A_426 = tpu.vector_load %arg6[%get3A_425] {strides = array<i32>} : memref<10240xf32, #tpu.memory_space<vmem>>, vector<16xf32>,
      %add3A_427 = arith.constant 7168 : i32
      %add3A_428 = arith.addi %add3A_427, %mul3A_371 : i32
      %get3A_429 = arith.index_cast %add3A_428 : i32 to index
      %get3A_430 = tpu.vector_load %arg6[%get3A_429] {strides = array<i32>} : memref<10240xf32, #tpu.memory_space<vmem>>, vector<16xf32>,
      %add3A_431 = arith.constant 7680 : i32
      %add3A_432 = arith.addi %add3A_431, %mul3A_371 : i32
      %get3A_433 = arith.index_cast %add3A_432 : i32 to index
      %get3A_434 = tpu.vector_load %arg6[%get3A_433] {strides = array<i32>} : memref<10240xf32, #tpu.memory_space<vmem>>, vector<16xf32>,
      %add3A_435 = arith.constant 8192 : i32
      %add3A_436 = arith.addi %add3A_435, %mul3A_371 : i32
      %get3A_437 = arith.index_cast %add3A_436 : i32 to index
      %get3A_438 = tpu.vector_load %arg6[%get3A_437] {strides = array<i32>} : memref<10240xf32, #tpu.memory_space<vmem>>, vector<16xf32>,
      %add3A_439 = arith.constant 8704 : i32
      %add3A_440 = arith.addi %add3A_439, %mul3A_371 : i32
      %get3A_441 = arith.index_cast %add3A_440 : i32 to index
      %get3A_442 = tpu.vector_load %arg6[%get3A_441] {strides = array<i32>} : memref<10240xf32, #tpu.memory_space<vmem>>, vector<16xf32>,
      %add3A_443 = arith.constant 9216 : i32
      %add3A_444 = arith.addi %add3A_443, %mul3A_371 : i32
      %get3A_445 = arith.index_cast %add3A_444 : i32 to index
      %get3A_446 = tpu.vector_load %arg6[%get3A_445] {strides = array<i32>} : memref<10240xf32, #tpu.memory_space<vmem>>, vector<16xf32>,
      %add3A_447 = arith.constant 9728 : i32
      %add3A_448 = arith.addi %add3A_447, %mul3A_371 : i32
      %get3A_449 = arith.index_cast %add3A_448 : i32 to index
      %get3A_450 = tpu.vector_load %arg6[%get3A_449] {strides = array<i32>} : memref<10240xf32, #tpu.memory_space<vmem>>, vector<16xf32>,
      %add3A_451 = arith.addf %get3A_374, %get3A_378 : vector<16xf32>
      %add3A_452 = arith.addf %get3A_382, %get3A_386 : vector<16xf32>
      %add3A_453 = arith.addf %get3A_390, %get3A_394 : vector<16xf32>
      %add3A_454 = arith.addf %get3A_398, %get3A_402 : vector<16xf32>
      %add3A_455 = arith.addf %get3A_406, %get3A_410 : vector<16xf32>
      %add3A_456 = arith.addf %get3A_414, %get3A_418 : vector<16xf32>
      %add3A_457 = arith.addf %get3A_422, %get3A_426 : vector<16xf32>
      %add3A_458 = arith.addf %get3A_430, %get3A_434 : vector<16xf32>
      %add3A_459 = arith.addf %get3A_438, %get3A_442 : vector<16xf32>
      %add3A_460 = arith.addf %get3A_446, %get3A_450 : vector<16xf32>
      %add3A_461 = arith.addf %add3A_451, %add3A_452 : vector<16xf32>
      %add3A_462 = arith.addf %add3A_453, %add3A_454 : vector<16xf32>
      %add3A_463 = arith.addf %add3A_455, %add3A_456 : vector<16xf32>
      %add3A_464 = arith.addf %add3A_457, %add3A_458 : vector<16xf32>
      %add3A_465 = arith.addf %add3A_459, %add3A_460 : vector<16xf32>
      %add3A_466 = arith.addf %add3A_461, %add3A_462 : vector<16xf32>
      %add3A_467 = arith.addf %add3A_463, %add3A_464 : vector<16xf32>
      %add3A_468 = arith.addf %add3A_466, %add3A_467 : vector<16xf32>
      %add3A_469 = arith.addf %add3A_468, %add3A_465 : vector<16xf32>
      %swap3A = arith.index_cast %mul3A_371 : i32 to index
      %swap3A_470 = tpu.vector_load %arg7[%swap3A] {strides = array<i32>} : memref<512xf32, #tpu.memory_space<vmem>>, vector<16xf32>,
      tpu.vector_store %arg7[%swap3A], %add3A_469 {strides = array<i32>} : memref<512xf32, #tpu.memory_space<vmem>>, vector<16xf32>,
    }
    %scan3A_368 = arith.constant 32 : i32
    "tpu.region"() ({
      %run_scoped3A = tpu.sem_alloc : memref<!tpu.dma_semaphore, #tpu.memory_space<semaphore_mem>>
      %dma_start3A_369 = tpu.memref_slice %arg4[%mul3A_2] : memref<16384xf32, #tpu.memory_space<hbm>> -> memref<512xf32, #tpu.memory_space<hbm>>
      %dma_start3A_370 = tpu.memref_slice %arg4[%mul3A_2] : memref<16384xf32, #tpu.memory_space<hbm>> -> memref<512xf32, #tpu.memory_space<hbm>>
      tpu.enqueue_dma source(%arg7 : memref<512xf32, #tpu.memory_space<vmem>>) target(%dma_start3A_370 : memref<512xf32, #tpu.memory_space<hbm>>) target_semaphore(%run_scoped3A : memref<!tpu.dma_semaphore, #tpu.memory_space<semaphore_mem>>)
      %dma_wait3A_371 = tpu.memref_slice %arg4[%mul3A_2] : memref<16384xf32, #tpu.memory_space<hbm>> -> memref<512xf32, #tpu.memory_space<hbm>>
      %dma_wait3A_372 = tpu.memref_slice %arg4[%mul3A_2] : memref<16384xf32, #tpu.memory_space<hbm>> -> memref<512xf32, #tpu.memory_space<hbm>>
      tpu.wait_dma2 semaphore(%run_scoped3A : memref<!tpu.dma_semaphore, #tpu.memory_space<semaphore_mem>>) src(%arg7 : memref<512xf32, #tpu.memory_space<vmem>>) dst(%dma_wait3A_372 : memref<512xf32, #tpu.memory_space<hbm>>)
      tpu.yield
    }) : () -> ()
    return
  }
}

</mosaic_0001>

<sc_bundles>
// kernel: kernel.3.cloned.1.call-start
scs
__scs_entry_jumppad:
0x0: {  	(pc) =	sbr.rel $0x88, $3  }
0x1: {  	(tag) =	ssettag $0x0;
	lr =	simm.s32 $0x1  }
0x2: {  	[smem:$0x3F9F] =	sst lr;
	_ =	strace $0xD0000000  }
0x3: {  	_ = 	snop  }
0x4: {  	_ = 	snop  }
0x5: {  	_ = 	snop  }
0x6: {  	_ = 	snop  }
0x7: {  	_ = 	snop  }
__scs_overlays_trampoline_lowered:
0x8: {  	[smem:$0x3FAE] =	sst s0  }
0x9: {  	[smem:$0x3FAF] =	sst s1  }
0xa: {  	[smem:$0x3FB0] =	sst s2  }
0xb: {  	[smem:$0x3FB1] =	sst s3  }
0xc: {  	[smem:$0x3FB2] =	sst s4  }
0xd: {  	[smem:$0x3FB3] =	sst s5  }
0xe: {  	[smem:$0x3FB4] =	sst s6  }
0xf: {  	[smem:$0x3FB5] =	sst s7  }
0x10: {  	[smem:$0x3FB6] =	sst s8  }
0x11: {  	[smem:$0x3FB7] =	sst s9;
	s0 =	simm.s32 @!p0 $0x0  }
0x12: {  	s1 =	sld [smem:$0x3F9D];
	s0 =	simm.s32 @p0 $0x1  }
0x13: {  	[smem:$0x3FB8] =	sst s0;
	s0 =	simm.s32 @!p1 $0x0  }
0x14: {  	s2 =	sld [smem:$0x3F9C];
	s0 =	simm.s32 @p1 $0x1  }
0x15: {  	[smem:$0x3FB9] =	sst s0;
	s0 =	simm.s32 @!p2 $0x0  }
0x16: {  	s3 =	sld [smem:$0x3FDB];
	s0 =	simm.s32 @p2 $0x1  }
0x17: {  	s4 =	simm.s32 $0x1BF5;
	[smem:$0x3FBB] =	sst s0  }
0x18: {  	s0 =	sld [smem:$0x3F9E];
	_ =	swait.ge [sflag:s4], $0x0  }
0x19: {  	s7 =	sld [smem:$0x3F9F]  }
0x1a: {  	s8 =	sadd.s32 $0xFFFFE003, lr  }
0x1b: {  	s9 =	sadd.s32 $0xFFFFFEF7, lr;
	s5 =	simm.s32 $0xFFFFFFFF;
	p2 =	slt.u32 s8, $0xFFFFF086  }
0x1c: {  	p1 =	slt.u32 s9, $0xF7A;
	s5 =	simm.s32 @!p2 $0x0  }
0x1d: {  	s5 =	simm.s32 @p1 $0x1;
	p0 =	seq.s32 s7, s2  }
0x1e: {  	s7 =	smul.u32 @!p0 $0xF7A, s2;
	p2 =	seq.s32 @!p0 s5, $0x0  }
0x1f: {  	s9 =	smul.u32 $0xF7A, s1;
	s8 =	simm.s32 @!p0 $0x1BF5;
	p2 =	por !p2, p0  }
0x20: {  	[sflag:s8] =	ssyncset.s32 @!p0 $0xFFFFF086;
	s6 =	sadd.s32 @!p0 s3, s7;
	s7 =	simm.s32 @!p0 $0x108  }
0x21: {  	s3 =	sadd.s32 s3, s9;
	s6 =	sadd.s32 @!p0 $0x88, s6;
	s7 =	simm.s32 @p2 $0x1082  }
0x22: {  	[simem:s7], [sflag:s8] =	dma.local @!p0 [hbm:s6], $0xF7A  }
0x23: {  	s9 =	sor.u32 $0xD0000000, s2;
	s6 =	simm.s32 $0x108;
	_ =	swait.ge @!p0 [sflag:s8], $0x0  }
0x24: {  	s3 =	sadd.s32 $0x88, s3;
	s6 =	simm.s32 @!p1 $0x1082;
	[sflag:s4] =	ssyncset.s32 $0xFFFFF086  }
0x25: {  	[simem:s6], [sflag:s4] =	dma.local [hbm:s3], $0xF7A  }
0x26: {  	[smem:$0x3F9F] =	sst s1;
	(tag) =	ssettag s2;
	_ =	strace s9  }
0x27: {  	s1 =	sld [smem:$0x3FAF]  }
0x28: {  	s2 =	sld [smem:$0x3FB0]  }
0x29: {  	s4 =	sld [smem:$0x3FB2]  }
0x2a: {  	p0 =	seq.s32 s5, $0x0;
	s5 =	sld [smem:$0x3FB3]  }
0x2b: {  	s6 =	sld [smem:$0x3FB4]  }
0x2c: {  	s7 =	sld [smem:$0x3FB5]  }
0x2d: {  	s3 =	simm.s32 $0x108;
	s8 =	sld [smem:$0x3FB6]  }
0x2e: {  	s3 =	simm.s32 @!p0 $0x1082;
	s9 =	sld [smem:$0x3FB7]  }
0x2f: {  	lr =	sadd.s32 s0, s3;
	s0 =	sld [smem:$0x3FAE]  }
0x30: {  	s3 =	sld [smem:$0x3FB1]  }
0x31: {  	[smem:$0x3FBA] =	sst s10  }
0x32: {  	s10 =	sld [smem:$0x3FB8];
	_ =	sdelay $0x3  }
0x33: {  	p0 =	seq.s32 s10, $0x1;
	s10 =	sld [smem:$0x3FBA];
	_ =	sdelay $0x3  }
0x34: {  	[smem:$0x3FBA] =	sst s10  }
0x35: {  	s10 =	sld [smem:$0x3FB9];
	_ =	sdelay $0x3  }
0x36: {  	p1 =	seq.s32 s10, $0x1;
	s10 =	sld [smem:$0x3FBA];
	_ =	sdelay $0x3  }
0x37: {  	[smem:$0x3FBA] =	sst s10  }
0x38: {  	s10 =	sld [smem:$0x3FBB]  }
0x39: {  	_ = 	snop;
	(pc) =	sbr.ind lr, $3  }
0x3a: {  	_ = 	snop  }
0x3b: {  	_ = 	snop  }
0x3c: {  	p2 =	seq.s32 s10, $0x1;
	s10 =	sld [smem:$0x3FBA]  }
0x3d: {  	_ =	shalt  }
0x3e: {  	_ =	shalt  }
0x3f: {  	_ =	shalt  }
0x40: {  	_ =	shalt  }
0x41: {  	_ =	shalt  }
0x42: {  	_ =	shalt  }
0x43: {  	_ =	shalt  }
0x44: {  	_ =	shalt  }
0x45: {  	_ =	shalt  }
0x46: {  	_ =	shalt  }
0x47: {  	_ =	shalt  }
0x48: {  	_ =	shalt  }
0x49: {  	_ =	shalt  }
0x4a: {  	_ =	shalt  }
0x4b: {  	_ =	shalt  }
0x4c: {  	_ =	shalt  }
0x4d: {  	_ =	shalt  }
0x4e: {  	_ =	shalt  }
0x4f: {  	_ =	shalt  }
0x50: {  	_ =	shalt  }
0x51: {  	_ =	shalt  }
0x52: {  	_ =	shalt  }
0x53: {  	_ =	shalt  }
0x54: {  	_ =	shalt  }
0x55: {  	_ =	shalt  }
0x56: {  	_ =	shalt  }
0x57: {  	_ =	shalt  }
0x58: {  	_ =	shalt  }
0x59: {  	_ =	shalt  }
0x5a: {  	_ =	shalt  }
0x5b: {  	_ =	shalt  }
0x5c: {  	_ =	shalt  }
0x5d: {  	_ =	shalt  }
0x5e: {  	_ =	shalt  }
0x5f: {  	_ =	shalt  }
0x60: {  	_ =	shalt  }
0x61: {  	_ =	shalt  }
0x62: {  	_ =	shalt  }
0x63: {  	_ =	shalt  }
0x64: {  	_ =	shalt  }
0x65: {  	_ =	shalt  }
0x66: {  	_ =	shalt  }
0x67: {  	_ =	shalt  }
0x68: {  	_ =	shalt  }
0x69: {  	_ =	shalt  }
0x6a: {  	_ =	shalt  }
0x6b: {  	_ =	shalt  }
0x6c: {  	_ =	shalt  }
0x6d: {  	_ =	shalt  }
0x6e: {  	_ =	shalt  }
0x6f: {  	_ =	shalt  }
0x70: {  	_ =	shalt  }
0x71: {  	_ =	shalt  }
0x72: {  	_ =	shalt  }
0x73: {  	_ =	shalt  }
0x74: {  	_ =	shalt  }
0x75: {  	_ =	shalt  }
0x76: {  	_ =	shalt  }
0x77: {  	_ =	shalt  }
0x78: {  	_ =	shalt  }
0x79: {  	_ =	shalt  }
0x7a: {  	_ =	shalt  }
0x7b: {  	_ =	shalt  }
0x7c: {  	_ =	shalt  }
0x7d: {  	_ =	shalt  }
0x7e: {  	_ =	shalt  }
0x7f: {  	_ =	shalt  }
0x80: {  	_ =	shalt  }
0x81: {  	_ =	shalt  }
0x82: {  	_ =	shalt  }
0x83: {  	_ =	shalt  }
0x84: {  	_ =	shalt  }
0x85: {  	_ =	shalt  }
0x86: {  	_ =	shalt  }
0x87: {  	_ =	shalt  }
.Lfunc_end0:
.L_simem_size_0:
called_computation_lowered:
.L_overlay_start_0:
0x88: {  	s2 =	sld [smem:$0x3FD9]  }
0x89: {  	s3 =	sld [smem:$0x3FFE];
	_ =	sdelay $0x1  }
0x8a: {  	s1 =	srdreg.scid  }
0x8b: {  	s0 =	sand.u32 $0x1, s1  }
0x8c: {  	s17 =	sshll.u32 s0, $0xA;
	s2 =	sadd.s32 s3, s2  }
0x8d: {  	s2 =	sadd.s32 s2, s17  }
0x8e: {  	[smem:$0x3FC6] =	sst s2  }
0x8f: {  	_ = 	snop  }
0x90: {  	s2 =	sld [smem:$0x3FC9]  }
0x91: {  	s18 =	sld [smem:$0x3FD0];
	(tm) =	ssettm $0x1  }
0x92: {  	s4 =	sld [smem:$0x3FFB];
	_ =	sdelay $0x3  }
0x93: {  	_ =	strace s4  }
0x94: {  	s4 =	sld [smem:$0x3FFC];
	_ =	sdelay $0x3  }
0x95: {  	_ =	strace s4  }
0x96: {  	s4 =	sld [smem:$0x3FFD];
	_ =	sdelay $0x3  }
0x97: {  	_ =	strace s4  }
0x98: {  	_ =	strace $0x8FFFFFFF  }
0x99: {  	s19 =	sld [smem:$0x3FDB];
	_ =	sdelay $0x1  }
0x9a: {  	s5 =	simm.s32 $_scs_section_size  }
0x9b: {  	s6 =	simm.s32 $_size__tile_overlayer_lowered;
	s7 =	simm.s32 $_tile_overlayer_lowered  }
0x9c: {  	s22 =	simm.s32 $0x1BFF;
	s21 =	sshll.u32 s7, $0x1;
	s4 =	sadd.s32 s5, s19  }
0x9d: {  	s8 =	simm.s32 $0x0;
	s20 =	sshll.u32 s6, $0x1;
	s6 =	sadd.s32 s21, s4  }
0x9e: {  	[timem:s8], [sflag:s22] =	dma.local [hbm:s6], s20  }
0x9f: {  	_ =	swait.ge [sflag:s22], s20  }
0xa0: {  	s5 =	ssub.s32 $0x0, s20;
	[sflag:s22] =	ssyncset.done $0x0  }
0xa1: {  	[sflag:s22] =	ssyncadd.s32 s5;
	_ =	sdelay $0x1  }
0xa2: {  	s23 =	simm.s32 $0x1B8B  }
0xa3: {  	_ =	swait.ge [sflag:s23], $0x1  }
0xa4: {  	[sflag:s23] =	ssyncset.done $0x0  }
0xa5: {  	s25 =	simm.s32 $0x1B8E;
	s24 =	sld [smem:$0x3FFE];
	[sflag:s23] =	ssyncadd.s32 $0xFFFFFFFF  }
0xa6: {  	s26 =	simm.s32 $execute0_lowered;
	[smem:$0x3FD2] =	sst s25  }
0xa7: {  	s6 =	sshll.u32 s26, $0x1;
	_ =	strace $0x80000046;
	[dreg:$0x1] =	wrdreg $0xFFFFFFFF  }
0xa8: {  	s28 =	simm.s32 $_size_execute0_lowered;
	s4 =	sadd.s32 s4, s6;
	[dreg:$0x0] =	wrdreg $0x0  }
0xa9: {  	s6 =	sshll.u32 s28, $0x1;
	[dreg:$0x2] =	wrdreg s4  }
0xaa: {  	[dreg:$0x3] =	wrdreg s6  }
0xab: {  	[dreg:$0x4] =	wrdreg $0xC0  }
0xac: {  	_ =	task [dreg:s8], $0x5FFFF  }
0xad: {  	[dreg:$0x1] =	wrdreg $0xFFFFFFFF  }
0xae: {  	[dreg:$0x0] =	wrdreg $0x60  }
0xaf: {  	[dreg:$0x2] =	wrdreg s2  }
0xb0: {  	[dreg:$0x3] =	wrdreg s24  }
0xb1: {  	[dreg:$0x4] =	wrdreg s18  }
0xb2: {  	[dreg:$0x5] =	wrdreg $0x9  }
0xb3: {  	_ =	task.clear_ibuf [dreg:s8], $0x6FFFF;
	_ =	strace $0x90000046  }
0xb4: {  	s29 =	simm.s32 $0x9;
	_ =	strace $0x80000048  }
0xb5: {  	_ =	swait.ge [sflag:s29], $0x1  }
0xb6: {  	[sflag:s29] =	ssyncadd.s32 $0xFFFFFFFF  }
0xb7: {  	_ =	strace $0x90000048  }
0xb8: {  	_ =	sfence  }
0xb9: {  	s30 =	sld [smem:$0x0];
	_ =	sdelay $0x2  }
0xba: {  	s31 =	sshll.u32 s1, $0xD;
	s1 =	sshrl.u32 s1, $0x2  }
0xbb: {  	s3 =	sand.u32 $0x4000, s31;
	s1 =	sadd.s32 s1, s30  }
0xbc: {  	s0 =	sor.u32 s3, s0;
	s1 =	sshll.u32 s1, $0x11  }
0xbd: {  	s0 =	sor.u32 s1, s0  }
0xbe: {  	s0 =	sadd.s32 $0x8F2B, s0  }
0xbf: {  	[sflag:s0] =	ssyncadd.remote.s32 $0x1  }
0xc0: {  	_ =	sfence.sel $0xFFFF  }
0xc1: {  	[dreg:$0x0] =	wrdreg $0xFFFFFFFF;
	(pc) =	sbr.abs _section_cstart, $3  }
0xc2: {  	[dreg:$0x1] =	wrdreg $0xFFFFFFFF  }
0xc3: {  	_ =	task.clear_ibuf [dreg:s8], $0x2FFFF;
	_ =	strace $0x9FFFFFFF  }
0xc4: {  	(tm) =	ssettm $0x7FFFFFFF  }
0xc5: {  	_ =	shalt  }
tec
execute0_lowered:
.L_overlay_start_1:
0x0: {  	(tag) =	ssettag $0x1  }
0x1: {  	s0 =	rddreg [dreg:$0x0]  }
0x2: {  	s1 =	rddreg [dreg:$0x1]  }
0x3: {  	s4 =	rddreg [dreg:$0x2]  }
0x4: {  	s2 =	srdreg.scid;
	s5 =	stileid.u32;
	s28 =	simm.s32 $0x400  }
0x5: {  	s29 =	simm.s32 $0x2;
	s30 =	simm.s32 $0x0;
	s3 =	sand.u32 $0x1, s2  }
0x6: {  	s2 =	simm.s32 $0x0;
	s5 =	sshll.u32 s5, $0xA;
	s1 =	sadd.s32 $0x400, s1  }
0x7: {  	s6 =	sshll.u32 s3, $0x9;
	[smem:$0x7FF] =	sst s2;
	s7 =	ssub.s32 $0x2, s3  }
0x8: {  	s5 =	sor.u32 s6, s5;
	_ =	strace $0x80000047;
	s31 =	sshrl.u32 s7, $0x1  }
0x9: {  	[dreg:$0x4] =	wrdreg s1;
	s1 =	simm.s32 $0x5000;
	s3 =	sadd.s32 s0, s5  }
0xa: {  	s6 =	ssub.s32 s7, s31;
	s31 =	sshrl.u32 s5, $0x3;
	s0 =	simm.s32 $0x1  }
0xb: {  	s25 =	sadd.s32 $0x10, s3;
	s26 =	sadd.s32 $0x20, s3;
	s7 =	sadd.s32 $0x30, s3  }
0xc: {  	s8 =	sadd.s32 $0x40, s3;
	s9 =	sadd.s32 $0x50, s3;
	s10 =	sadd.s32 $0x60, s3  }
0xd: {  	s11 =	sadd.s32 $0x70, s3;
	s12 =	sadd.s32 $0x4000, s3;
	s13 =	sadd.s32 $0x4010, s3  }
0xe: {  	s14 =	sadd.s32 $0x4020, s3;
	s15 =	sadd.s32 $0x4030, s3;
	s16 =	sadd.s32 $0x4040, s3  }
0xf: {  	s17 =	sadd.s32 $0x4050, s3;
	s18 =	sadd.s32 $0x4060, s3;
	s19 =	sadd.s32 $0x4070, s3  }
0x10: {  	s20 =	sadd.s32 $0x8000, s3;
	s21 =	sadd.s32 $0x8010, s3;
	s22 =	sadd.s32 $0x8020, s3  }
0x11: {  	s23 =	sadd.s32 s4, s31;
	s24 =	sadd.s32 $0x8030, s3;
	[dreg:$0x5] =	wrdreg s25  }
0x12: {  	[dreg:$0x6] =	wrdreg s26;
	s25 =	smax.u32 s6, $0x1;
	s26 =	simm.s32 $0x80  }
.LBB2_1:
0x13: {  	[tilespmem:s2], [sflag:$0x1] =	stream.strided.gather [hbm4b:s3+s26], $0x200, s28, s26, $0x38;
	[tilespmem:$0x5200] =	vst v63  }
0x14: {  	s4 =	rddreg [dreg:$0x5];
	s5 =	simm.s32 $0x200  }
0x15: {  	[tilespmem:s5], [sflag:$0x1] =	stream.strided.gather [hbm4b:s4+s26], $0x200, s28, s26, $0x38;
	[tilespmem:$0x5200] =	vst v63  }
0x16: {  	s6 =	rddreg [dreg:$0x6]  }
0x17: {  	[tilespmem:s28], [sflag:$0x1] =	stream.strided.gather [hbm4b:s6+s26], $0x200, s28, s26, $0x38;
	[tilespmem:$0x5200] =	vst v63  }
0x18: {  	s5 =	simm.s32 $0x600  }
0x19: {  	[tilespmem:s5], [sflag:$0x1] =	stream.strided.gather [hbm4b:s7+s26], $0x200, s28, s26, $0x38;
	[tilespmem:$0x5200] =	vst v63  }
0x1a: {  	s6 =	simm.s32 $0x800  }
0x1b: {  	[tilespmem:s6], [sflag:$0x1] =	stream.strided.gather [hbm4b:s8+s26], $0x200, s28, s26, $0x38;
	[tilespmem:$0x5200] =	vst v63  }
0x1c: {  	s5 =	simm.s32 $0xA00  }
0x1d: {  	[tilespmem:s5], [sflag:$0x1] =	stream.strided.gather [hbm4b:s9+s26], $0x200, s28, s26, $0x38;
	[tilespmem:$0x5200] =	vst v63  }
0x1e: {  	s6 =	simm.s32 $0xC00  }
0x1f: {  	[tilespmem:s6], [sflag:$0x1] =	stream.strided.gather [hbm4b:s10+s26], $0x200, s28, s26, $0x38;
	[tilespmem:$0x5200] =	vst v63  }
0x20: {  	s5 =	simm.s32 $0xE00  }
0x21: {  	[tilespmem:s5], [sflag:$0x1] =	stream.strided.gather [hbm4b:s11+s26], $0x200, s28, s26, $0x38;
	[tilespmem:$0x5200] =	vst v63  }
0x22: {  	s6 =	simm.s32 $0x1000  }
0x23: {  	[tilespmem:s6], [sflag:$0x1] =	stream.strided.gather [hbm4b:s12+s26], $0x200, s28, s26, $0x38;
	[tilespmem:$0x5200] =	vst v63  }
0x24: {  	s5 =	simm.s32 $0x1200  }
0x25: {  	[tilespmem:s5], [sflag:$0x1] =	stream.strided.gather [hbm4b:s13+s26], $0x200, s28, s26, $0x38;
	[tilespmem:$0x5200] =	vst v63  }
0x26: {  	s6 =	simm.s32 $0x1400  }
0x27: {  	[tilespmem:s6], [sflag:$0x1] =	stream.strided.gather [hbm4b:s14+s26], $0x200, s28, s26, $0x38;
	[tilespmem:$0x5200] =	vst v63  }
0x28: {  	s5 =	simm.s32 $0x1600  }
0x29: {  	[tilespmem:s5], [sflag:$0x1] =	stream.strided.gather [hbm4b:s15+s26], $0x200, s28, s26, $0x38;
	[tilespmem:$0x5200] =	vst v63  }
0x2a: {  	s6 =	simm.s32 $0x1800  }
0x2b: {  	[tilespmem:s6], [sflag:$0x1] =	stream.strided.gather [hbm4b:s16+s26], $0x200, s28, s26, $0x38;
	[tilespmem:$0x5200] =	vst v63  }
0x2c: {  	s5 =	simm.s32 $0x1A00  }
0x2d: {  	[tilespmem:s5], [sflag:$0x1] =	stream.strided.gather [hbm4b:s17+s26], $0x200, s28, s26, $0x38;
	[tilespmem:$0x5200] =	vst v63  }
0x2e: {  	s6 =	simm.s32 $0x1C00  }
0x2f: {  	[tilespmem:s6], [sflag:$0x1] =	stream.strided.gather [hbm4b:s18+s26], $0x200, s28, s26, $0x38;
	[tilespmem:$0x5200] =	vst v63  }
0x30: {  	s5 =	simm.s32 $0x1E00  }
0x31: {  	[tilespmem:s5], [sflag:$0x1] =	stream.strided.gather [hbm4b:s19+s26], $0x200, s28, s26, $0x38;
	[tilespmem:$0x5200] =	vst v63  }
0x32: {  	s6 =	simm.s32 $0x2000  }
0x33: {  	[tilespmem:s6], [sflag:$0x1] =	stream.strided.gather [hbm4b:s20+s26], $0x200, s28, s26, $0x38;
	[tilespmem:$0x5200] =	vst v63  }
0x34: {  	s5 =	simm.s32 $0x2200  }
0x35: {  	[tilespmem:s5], [sflag:$0x1] =	stream.strided.gather [hbm4b:s21+s26], $0x200, s28, s26, $0x38;
	[tilespmem:$0x5200] =	vst v63  }
0x36: {  	s6 =	simm.s32 $0x2400  }
0x37: {  	[tilespmem:s6], [sflag:$0x1] =	stream.strided.gather [hbm4b:s22+s26], $0x200, s28, s26, $0x38;
	[tilespmem:$0x5200] =	vst v63  }
0x38: {  	s5 =	simm.s32 $0x2600  }
0x39: {  	[tilespmem:s5], [sflag:$0x1] =	stream.strided.gather [hbm4b:s24+s26], $0x200, s28, s26, $0x38;
	[tilespmem:$0x5200] =	vst v63  }
0x3a: {  	_ =	swait.ge [sflag:s0], $0x200  }
0x3b: {  	[sflag:s0] =	ssyncset.done $0x0  }
0x3c: {  	[sflag:s0] =	ssyncadd.s32 $0xFFFFFE00  }
0x3d: {  	_ =	swait.ge [sflag:s0], $0x200  }
0x3e: {  	[sflag:s0] =	ssyncset.done $0x0  }
0x3f: {  	[sflag:s0] =	ssyncadd.s32 $0xFFFFFE00  }
0x40: {  	_ =	swait.ge [sflag:s0], $0x200  }
0x41: {  	[sflag:s0] =	ssyncset.done $0x0  }
0x42: {  	[sflag:s0] =	ssyncadd.s32 $0xFFFFFE00  }
0x43: {  	_ =	swait.ge [sflag:s0], $0x200  }
0x44: {  	[sflag:s0] =	ssyncset.done $0x0  }
0x45: {  	[sflag:s0] =	ssyncadd.s32 $0xFFFFFE00  }
0x46: {  	_ =	swait.ge [sflag:s0], $0x200  }
0x47: {  	[sflag:s0] =	ssyncset.done $0x0  }
0x48: {  	[sflag:s0] =	ssyncadd.s32 $0xFFFFFE00  }
0x49: {  	_ =	swait.ge [sflag:s0], $0x200  }
0x4a: {  	[sflag:s0] =	ssyncset.done $0x0  }
0x4b: {  	[sflag:s0] =	ssyncadd.s32 $0xFFFFFE00  }
0x4c: {  	_ =	swait.ge [sflag:s0], $0x200  }
0x4d: {  	[sflag:s0] =	ssyncset.done $0x0  }
0x4e: {  	[sflag:s0] =	ssyncadd.s32 $0xFFFFFE00  }
0x4f: {  	_ =	swait.ge [sflag:s0], $0x200  }
0x50: {  	[sflag:s0] =	ssyncset.done $0x0  }
0x51: {  	[sflag:s0] =	ssyncadd.s32 $0xFFFFFE00  }
0x52: {  	_ =	swait.ge [sflag:s0], $0x200  }
0x53: {  	[sflag:s0] =	ssyncset.done $0x0  }
0x54: {  	[sflag:s0] =	ssyncadd.s32 $0xFFFFFE00  }
0x55: {  	_ =	swait.ge [sflag:s0], $0x200  }
0x56: {  	[sflag:s0] =	ssyncset.done $0x0  }
0x57: {  	[sflag:s0] =	ssyncadd.s32 $0xFFFFFE00  }
0x58: {  	_ =	swait.ge [sflag:s0], $0x200  }
0x59: {  	[sflag:s0] =	ssyncset.done $0x0  }
0x5a: {  	[sflag:s0] =	ssyncadd.s32 $0xFFFFFE00  }
0x5b: {  	_ =	swait.ge [sflag:s0], $0x200  }
0x5c: {  	[sflag:s0] =	ssyncset.done $0x0  }
0x5d: {  	[sflag:s0] =	ssyncadd.s32 $0xFFFFFE00  }
0x5e: {  	_ =	swait.ge [sflag:s0], $0x200  }
0x5f: {  	[sflag:s0] =	ssyncset.done $0x0  }
0x60: {  	[sflag:s0] =	ssyncadd.s32 $0xFFFFFE00  }
0x61: {  	_ =	swait.ge [sflag:s0], $0x200  }
0x62: {  	[sflag:s0] =	ssyncset.done $0x0  }
0x63: {  	[sflag:s0] =	ssyncadd.s32 $0xFFFFFE00  }
0x64: {  	_ =	swait.ge [sflag:s0], $0x200  }
0x65: {  	[sflag:s0] =	ssyncset.done $0x0  }
0x66: {  	[sflag:s0] =	ssyncadd.s32 $0xFFFFFE00  }
0x67: {  	_ =	swait.ge [sflag:s0], $0x200  }
0x68: {  	[sflag:s0] =	ssyncset.done $0x0  }
0x69: {  	[sflag:s0] =	ssyncadd.s32 $0xFFFFFE00  }
0x6a: {  	_ =	swait.ge [sflag:s0], $0x200  }
0x6b: {  	[sflag:s0] =	ssyncset.done $0x0  }
0x6c: {  	[sflag:s0] =	ssyncadd.s32 $0xFFFFFE00  }
0x6d: {  	_ =	swait.ge [sflag:s0], $0x200  }
0x6e: {  	[sflag:s0] =	ssyncset.done $0x0  }
0x6f: {  	[sflag:s0] =	ssyncadd.s32 $0xFFFFFE00  }
0x70: {  	_ =	swait.ge [sflag:s0], $0x200  }
0x71: {  	[sflag:s0] =	ssyncset.done $0x0  }
0x72: {  	[sflag:s0] =	ssyncadd.s32 $0xFFFFFE00  }
0x73: {  	_ =	swait.ge [sflag:s0], $0x200  }
0x74: {  	[sflag:s0] =	ssyncset.done $0x0  }
0x75: {  	s4 =	simm.s32 $0x2800;
	s6 =	rddreg [dreg:$0x4];
	[sflag:s0] =	ssyncadd.s32 $0xFFFFFE00  }
0x76: {  	[tilespmem:s4], [sflag:$0x1] =	stream.indirect.gather [hbm4b:s6+s4], $0x1, s2, s4, $0xb8;
	[tilespmem:$0x5200] =	vst v63  }
0x77: {  	_ =	swait.ge [sflag:s0], $0x2800  }
0x78: {  	[sflag:s0] =	ssyncset.done $0x0  }
0x79: {  	s6 =	sand.u32 $0x1F0, s2;
	[sflag:s0] =	ssyncadd.s32 $0xFFFFD800  }
0x7a: {  	v1 =	vld [tilespmem:s6+$0x2A00]  }
0x7b: {  	v2 =	vld [tilespmem:s4+$0x0]  }
0x7c: {  	v3 =	vld [tilespmem:s6+$0x2C00]  }
0x7d: {  	v4 =	vld [tilespmem:s6+$0x2E00]  }
0x7e: {  	v5 =	vld [tilespmem:s6+$0x3000]  }
0x7f: {  	v6 =	vld [tilespmem:s6+$0x3200]  }
0x80: {  	v7 =	vld [tilespmem:s6+$0x3400]  }
0x81: {  	v8 =	vld [tilespmem:s6+$0x3600]  }
0x82: {  	v9 =	vld [tilespmem:s6+$0x3800]  }
0x83: {  	v10 =	vld [tilespmem:s6+$0x3A00]  }
0x84: {  	v11 =	vld [tilespmem:s6+$0x3C00]  }
0x85: {  	v12 =	vld [tilespmem:s6+$0x3E00]  }
0x86: {  	v13 =	vld [tilespmem:s6+$0x4000]  }
0x87: {  	v14 =	vld [tilespmem:s6+$0x4200]  }
0x88: {  	v15 =	vld [tilespmem:s6+$0x4400]  }
0x89: {  	v16 =	vld [tilespmem:s6+$0x4600]  }
0x8a: {  	v0 =	vld [tilespmem:s6+$0x4800]  }
0x8b: {  	v17 =	vld [tilespmem:s6+$0x4A00];
	v1 =	vadd.f32 v1, v2;
	v2 =	vadd.f32 v4, v3  }
0x8c: {  	v18 =	vld [tilespmem:s6+$0x4C00];
	v4 =	vadd.f32 v6, v5;
	v5 =	vadd.f32 v8, v7  }
0x8d: {  	v3 =	vld [tilespmem:s6+$0x4E00];
	v6 =	vadd.f32 v10, v9;
	v7 =	vadd.f32 v12, v11  }
0x8e: {  	v8 =	vadd.f32 v14, v13;
	v9 =	vadd.f32 v16, v15  }
0x8f: {  	v1 =	vadd.f32 v2, v1;
	v2 =	vadd.f32 v5, v4  }
0x90: {  	v4 =	vadd.f32 v7, v6;
	v5 =	vadd.f32 v9, v8  }
0x91: {  	v0 =	vadd.f32 v17, v0;
	v1 =	vadd.f32 v2, v1  }
0x92: {  	v2 =	vadd.f32 v5, v4;
	v3 =	vadd.f32 v3, v18;
	_ =	sdelay $0x1  }
0x93: {  	v1 =	vadd.f32 v2, v1;
	v0 =	vadd.f32 v3, v0;
	_ =	sdelay $0x1  }
0x94: {  	v0 =	vadd.f32 v0, v1  }
0x95: {  	s6 =	simm.s32 $0x10  }
0x96: {  	s6 =	sand.u32 $0x1F0, s6;
	[tilespmem:s1+$0x0] =	vst v0  }
0x97: {  	v0 =	vld [tilespmem:s6+$0x4800]  }
0x98: {  	s4 =	simm.s32 $0x2810;
	v1 =	vld [tilespmem:s6+$0x2A00]  }
0x99: {  	v2 =	vld [tilespmem:s4+$0x0]  }
0x9a: {  	v3 =	vld [tilespmem:s6+$0x2C00]  }
0x9b: {  	v5 =	vld [tilespmem:s6+$0x2E00]  }
0x9c: {  	v4 =	vld [tilespmem:s6+$0x3000]  }
0x9d: {  	v6 =	vld [tilespmem:s6+$0x3200]  }
0x9e: {  	v7 =	vld [tilespmem:s6+$0x3400]  }
0x9f: {  	v8 =	vld [tilespmem:s6+$0x3600]  }
0xa0: {  	v9 =	vld [tilespmem:s6+$0x3800]  }
0xa1: {  	v10 =	vld [tilespmem:s6+$0x3A00]  }
0xa2: {  	v11 =	vld [tilespmem:s6+$0x3C00]  }
0xa3: {  	v12 =	vld [tilespmem:s6+$0x3E00]  }
0xa4: {  	v13 =	vld [tilespmem:s6+$0x4000]  }
0xa5: {  	v14 =	vld [tilespmem:s6+$0x4200]  }
0xa6: {  	s31 =	simm.s32 $0x5000;
	s5 =	simm.s32 $0x20;
	v15 =	vld [tilespmem:s6+$0x4400]  }
.LBB2_2:
0xa7: {  	p0 =	sne.s32 s5, $0x1F0;
	v16 =	vld [tilespmem:s6+$0x4600]  }
0xa8: {  	v17 =	vld [tilespmem:s6+$0x4A00]  }
0xa9: {  	v1 =	vadd.f32 v1, v2;
	v2 =	vadd.f32 v5, v3;
	v18 =	vld [tilespmem:s6+$0x4C00]  }
0xaa: {  	v4 =	vadd.f32 v6, v4;
	v5 =	vadd.f32 v8, v7;
	v3 =	vld [tilespmem:s6+$0x4E00]  }
0xab: {  	v6 =	vadd.f32 v10, v9;
	v7 =	vadd.f32 v12, v11  }
0xac: {  	v8 =	vadd.f32 v14, v13;
	v9 =	vadd.f32 v16, v15  }
0xad: {  	v1 =	vadd.f32 v2, v1;
	v2 =	vadd.f32 v5, v4  }
0xae: {  	v4 =	vadd.f32 v7, v6;
	v5 =	vadd.f32 v9, v8  }
0xaf: {  	v0 =	vadd.f32 v17, v0;
	v3 =	vadd.f32 v3, v18  }
0xb0: {  	v1 =	vadd.f32 v2, v1;
	v2 =	vadd.f32 v5, v4;
	_ =	sdelay $0x1  }
0xb1: {  	v0 =	vadd.f32 v3, v0;
	v1 =	vadd.f32 v2, v1;
	_ =	sdelay $0x1  }
0xb2: {  	v0 =	vadd.f32 v0, v1  }
0xb3: {  	s31 =	sadd.s32 $0x10, s31  }
0xb4: {  	s6 =	sand.u32 $0x1F0, s5;
	[tilespmem:s31+$0x0] =	vst v0  }
0xb5: {  	v0 =	vld [tilespmem:s6+$0x4800]  }
0xb6: {  	s4 =	sadd.s32 $0x10, s4;
	v1 =	vld [tilespmem:s6+$0x2A00]  }
0xb7: {  	v2 =	vld [tilespmem:s4+$0x0]  }
0xb8: {  	v3 =	vld [tilespmem:s6+$0x2C00]  }
0xb9: {  	v5 =	vld [tilespmem:s6+$0x2E00]  }
0xba: {  	v4 =	vld [tilespmem:s6+$0x3000]  }
0xbb: {  	v6 =	vld [tilespmem:s6+$0x3200]  }
0xbc: {  	v7 =	vld [tilespmem:s6+$0x3400]  }
0xbd: {  	v8 =	vld [tilespmem:s6+$0x3600]  }
0xbe: {  	v9 =	vld [tilespmem:s6+$0x3800]  }
0xbf: {  	v10 =	vld [tilespmem:s6+$0x3A00]  }
.Ltmp0:
0xc0: {  	v11 =	vld [tilespmem:s6+$0x3C00];
	(pc) =	sbr.rel @p0 .LBB2_2-.Ltmp0, $4  }
0xc1: {  	v12 =	vld [tilespmem:s6+$0x3E00]  }
0xc2: {  	v13 =	vld [tilespmem:s6+$0x4000]  }
0xc3: {  	v14 =	vld [tilespmem:s6+$0x4200]  }
0xc4: {  	s5 =	sadd.s32 $0x10, s5;
	v15 =	vld [tilespmem:s6+$0x4400]  }
0xc5: {  	v16 =	vld [tilespmem:s6+$0x4600];
	_ =	sdelay $0x1  }
0xc6: {  	v17 =	vld [tilespmem:s6+$0x4A00];
	v1 =	vadd.f32 v1, v2;
	v53 =	vadd.f32 v5, v3  }
0xc7: {  	v18 =	vld [tilespmem:s6+$0x4C00];
	v4 =	vadd.f32 v6, v4;
	v55 =	vadd.f32 v8, v7  }
0xc8: {  	v54 =	vld [tilespmem:s6+$0x4E00];
	v56 =	vadd.f32 v10, v9;
	v57 =	vadd.f32 v12, v11  }
0xc9: {  	v58 =	vadd.f32 v14, v13;
	v59 =	vadd.f32 v16, v15  }
0xca: {  	v1 =	vadd.f32 v53, v1;
	v60 =	vadd.f32 v55, v4  }
0xcb: {  	v61 =	vadd.f32 v57, v56;
	v62 =	vadd.f32 v59, v58  }
0xcc: {  	v1 =	vadd.f32 v60, v1;
	v0 =	vadd.f32 v17, v0  }
0xcd: {  	v3 =	vadd.f32 v54, v18;
	v63 =	vadd.f32 v62, v61;
	_ =	sdelay $0x1  }
0xce: {  	v0 =	vadd.f32 v3, v0;
	v1 =	vadd.f32 v63, v1;
	_ =	sdelay $0x1  }
0xcf: {  	s30 =	sadd.s32 $0x1, s30;
	v0 =	vadd.f32 v0, v1  }
0xd0: {  	s4 =	sadd.s32 $0x10, s31;
	p0 =	sne.s32 s30, s25  }
.Ltmp1:
0xd1: {  	[tilespmem:s4+$0x0] =	vst v0;
	(pc) =	sbr.rel @p0 .LBB2_1-.Ltmp1, $4  }
0xd2: {  	[hbm4b:s23+s2] =	stream.linear.scatter [tilespmem:s1], [sflag:$0x2], $0x200, $0x38;
	[tilespmem:$0x5200] =	vst v63  }
0xd3: {  	_ =	swait.ge [sflag:s29], $0x200  }
0xd4: {  	[sflag:s29] =	ssyncset.done $0x0  }
0xd5: {  	[sflag:s29] =	ssyncadd.s32 $0xFFFFFE00  }
0xd6: {  	_ =	sfence.sel $0x180000  }
0xd7: {  	[bflag:$0x0] =	sbarrier.arrive $0xFFFF  }
0xd8: {  	_ =	strace $0x90000047  }
0xd9: {  	s0 =	stileid.u32;
	[bflag:$0x2] =	sbarrier.arrive $0xFFFF  }
0xda: {  	p0 =	sne.s32 s0, $0x0;
	s0 =	rddreg [dreg:$0x3]  }
0xdb: {  	s0 =	sadd.s32 @!p0 $0x100000, s0  }
0xdc: {  	[sflag:s0] =	ssyncadd.tile.s32 @!p0 $0x1;
	_ =	shalt  }
.Lfunc_end2:
_tile_overlayer_lowered:
.L_overlay_start_2:
0xdd: {  	(tag) =	ssettag $0x2  }
0xde: {  	s0 =	rddreg [dreg:$0x0];
	s2 =	stileid.u32  }
0xdf: {  	s1 =	rddreg [dreg:$0x1];
	p0 =	sne.s32 s2, $0x0  }
0xe0: {  	s3 =	rddreg [dreg:$0x2];
	[bflag:$0x3] =	sbarrier.arrive $0xFFFF;
	s2 =	simm.s32 @!p0 $0x1C02  }
0xe1: {  	[timem:s3], [sflag:s2] =	dma.local @!p0 [hbm:s0], s1  }
0xe2: {  	s0 =	simm.s32 @!p0 $0x2  }
0xe3: {  	_ =	swait.ge @!p0 [sflag:s0], s1  }
0xe4: {  	s1 =	ssub.s32 @!p0 $0x0, s1;
	[sflag:s0] =	ssyncset.done @!p0 $0x0  }
0xe5: {  	[sflag:s0] =	ssyncadd.s32 @!p0 s1  }
0xe6: {  	[bflag:$0x3] =	sbarrier.arrive $0xFFFF  }
0xe7: {  	_ =	shalt  }

</sc_bundles>
